<compile_context>
chip_gen: v7x
topology: tpu7x:2x2x1
jax: 0.10.2.dev20260603
libtpu: 0.0.44.dev20260713+nightly
codegen_flags: <defaults>
</compile_context>

<pallas_src>
import functools

import jax
import jax.numpy as jnp
from jax import lax
from jax.experimental import pallas as pl
from jax.experimental.pallas import tpu as pltpu
from jax.experimental.pallas import tpu_sc as plsc

N = 10000
E = 320000
D = 128
H = 128

NC = 2
NS = 16
NW = NC * NS
CHUNK = 128
K = (E + NW * CHUNK - 1) // (NW * CHUNK)
E_PAD = NW * CHUNK * K
N_PAD = 10240
ROWS_PER_TILE = N_PAD // NS

_mesh = plsc.VectorSubcoreMesh(core_axis_name="c", subcore_axis_name="s")


@functools.partial(
    pl.kernel,
    out_type=jax.ShapeDtypeStruct((NC, N_PAD, D), jnp.float32),
    mesh=_mesh,
    scratch_types=[
        pltpu.VMEM((K, CHUNK), jnp.int32),
        pltpu.VMEM((K, CHUNK), jnp.int32),
        pltpu.VMEM((CHUNK, D), jnp.float32),
        pltpu.VMEM_SHARED((N_PAD, D), jnp.float32),
        pltpu.SemaphoreType.DMA,
    ],
)
def _sc_segsum(nf_hbm, srcr_hbm, dstr_hbm, zsum_hbm, sums_hbm,
               src_idx, dst_idx, rows, acc_sum, sem):
    c = lax.axis_index("c")
    s = lax.axis_index("s")
    w = c * NS + s

    pltpu.sync_copy(srcr_hbm.at[w], src_idx)
    pltpu.sync_copy(dstr_hbm.at[w], dst_idx)
    r0 = s * ROWS_PER_TILE
    pltpu.sync_copy(zsum_hbm, acc_sum.at[pl.ds(r0, ROWS_PER_TILE)])
    plsc.subcore_barrier()

    def body(j, carry):
        pltpu.async_copy(nf_hbm.at[src_idx.at[j]], rows, sem).wait()
        pltpu.sync_copy(rows, acc_sum.at[dst_idx.at[j]], add=True)
        return carry

    lax.fori_loop(0, K, body, 0)
    plsc.subcore_barrier()

    pltpu.sync_copy(acc_sum.at[pl.ds(r0, ROWS_PER_TILE)],
                    sums_hbm.at[c, pl.ds(r0, ROWS_PER_TILE)])


@functools.partial(
    pl.kernel,
    out_type=jax.ShapeDtypeStruct((NC, N_PAD, D), jnp.float32),
    mesh=_mesh,
    scratch_types=[
        pltpu.VMEM((K, CHUNK), jnp.int32),
        pltpu.VMEM((CHUNK, D), jnp.float32),
        pltpu.VMEM_SHARED((N_PAD, D), jnp.float32),
    ],
)
def _sc_counts(dstr_hbm, zcnt_hbm, ones_hbm, cnts_hbm,
               dst_idx, ones_v, acc_cnt):
    c = lax.axis_index("c")
    s = lax.axis_index("s")
    w = c * NS + s

    pltpu.sync_copy(dstr_hbm.at[w], dst_idx)
    pltpu.sync_copy(ones_hbm, ones_v)
    r0 = s * ROWS_PER_TILE
    pltpu.sync_copy(zcnt_hbm, acc_cnt.at[pl.ds(r0, ROWS_PER_TILE)])
    plsc.subcore_barrier()

    def body(j, carry):
        pltpu.sync_copy(ones_v, acc_cnt.at[dst_idx.at[j]], add=True)
        return carry

    lax.fori_loop(0, K, body, 0)
    plsc.subcore_barrier()

    pltpu.sync_copy(acc_cnt.at[pl.ds(r0, ROWS_PER_TILE)],
                    cnts_hbm.at[c, pl.ds(r0, ROWS_PER_TILE)])


@functools.partial(
    pl.kernel,
    out_type=[
        jax.ShapeDtypeStruct((E_PAD, D), jnp.float32),
        jax.ShapeDtypeStruct((E_PAD, D), jnp.float32),
    ],
    mesh=_mesh,
    scratch_types=[
        pltpu.VMEM((K, CHUNK), jnp.int32),
        pltpu.VMEM((K, CHUNK), jnp.int32),
        pltpu.VMEM((CHUNK, D), jnp.float32),
        pltpu.VMEM((CHUNK, D), jnp.float32),
        pltpu.SemaphoreType.DMA,
        pltpu.SemaphoreType.DMA,
    ],
)
def _sc_gather(table_hbm, srcr_hbm, dstr_hbm, x_hbm, y_hbm,
               src_idx, dst_idx, rx, ry, sem1, sem2):
    c = lax.axis_index("c")
    s = lax.axis_index("s")
    w = c * NS + s

    pltpu.sync_copy(srcr_hbm.at[w], src_idx)
    pltpu.sync_copy(dstr_hbm.at[w], dst_idx)
    base = w * K * CHUNK

    def body(j, carry):
        off = base + j * CHUNK
        cx = pltpu.async_copy(table_hbm.at[src_idx.at[j]], rx, sem1)
        cy = pltpu.async_copy(table_hbm.at[dst_idx.at[j]], ry, sem2)
        cx.wait()
        pltpu.sync_copy(rx, x_hbm.at[pl.ds(off, CHUNK)])
        cy.wait()
        pltpu.sync_copy(ry, y_hbm.at[pl.ds(off, CHUNK)])
        return carry

    lax.fori_loop(0, K, body, 0)


def _tc_node_body(s0, s1, c0, c1, nf, wl, wr, bl, o):
    cnt = jnp.clip(c0[:, :1] + c1[:, :1], 1.0, None)
    mean = (s0[...] + s1[...]) / cnt
    o[...] = jnp.maximum(
        jnp.dot(mean, wl[...], preferred_element_type=jnp.float32)
        + jnp.dot(nf[...], wr[...], preferred_element_type=jnp.float32)
        + bl[...], 0.0)


_BN = 512


def _tc_node(s0, s1, c0, c1, nf_pad, Wl, Wr, bl):
    grid = (N_PAD // _BN,)
    return pl.pallas_call(
        _tc_node_body,
        grid=grid,
        in_specs=[
            pl.BlockSpec((_BN, D), lambda i: (i, 0)),
            pl.BlockSpec((_BN, D), lambda i: (i, 0)),
            pl.BlockSpec((_BN, D), lambda i: (i, 0)),
            pl.BlockSpec((_BN, D), lambda i: (i, 0)),
            pl.BlockSpec((_BN, D), lambda i: (i, 0)),
            pl.BlockSpec((D, H), lambda i: (0, 0)),
            pl.BlockSpec((D, H), lambda i: (0, 0)),
            pl.BlockSpec((1, H), lambda i: (0, 0)),
        ],
        out_specs=pl.BlockSpec((_BN, H), lambda i: (i, 0)),
        out_shape=jax.ShapeDtypeStruct((N_PAD, H), jnp.float32),
    )(s0, s1, c0, c1, nf_pad, Wl, Wr, bl)


def _tc_edge_body(x, y, w1a, w1b, b1, w2, b2, o):
    xv = x[...]
    yv = y[...]
    h = jnp.maximum(
        jnp.dot(xv * yv, w1a[...], preferred_element_type=jnp.float32)
        + jnp.dot(xv - yv, w1b[...], preferred_element_type=jnp.float32)
        + b1[...], 0.0)
    sc = jnp.sum(h * w2[...], axis=1, keepdims=True) + b2[...]
    o[...] = jax.nn.sigmoid(sc)


_BE = 512


def _tc_edge(X, Y, W1a, W1b, b1, w2, b2):
    grid = (E // _BE,)
    return pl.pallas_call(
        _tc_edge_body,
        grid=grid,
        in_specs=[
            pl.BlockSpec((_BE, H), lambda i: (i, 0)),
            pl.BlockSpec((_BE, H), lambda i: (i, 0)),
            pl.BlockSpec((H, H), lambda i: (0, 0)),
            pl.BlockSpec((H, H), lambda i: (0, 0)),
            pl.BlockSpec((1, H), lambda i: (0, 0)),
            pl.BlockSpec((1, H), lambda i: (0, 0)),
            pl.BlockSpec((1, 1), lambda i: (0, 0)),
        ],
        out_specs=pl.BlockSpec((_BE, 1), lambda i: (i, 0)),
        out_shape=jax.ShapeDtypeStruct((E, 1), jnp.float32),
    )(X, Y, W1a, W1b, b1, w2, b2)


def kernel(node_features, edge_index, Wl, bl, Wr, W1, b1, W2, b2):
    src = edge_index[0].astype(jnp.int32)
    dst = edge_index[1].astype(jnp.int32)
    pad = E_PAD - E
    src_p = jnp.concatenate([src, jnp.zeros((pad,), jnp.int32)]).reshape(
        NW, K, CHUNK)
    dst_p = jnp.concatenate([dst, jnp.full((pad,), N, jnp.int32)]).reshape(
        NW, K, CHUNK)

    zsum = jnp.zeros((ROWS_PER_TILE, D), jnp.float32)
    ones = jnp.ones((CHUNK, D), jnp.float32)

    sums = _sc_segsum(node_features, src_p, dst_p, zsum)
    cnts = _sc_counts(dst_p, zsum, ones)

    nf_pad = jnp.pad(node_features, ((0, N_PAD - N), (0, 0)))
    out_table = _tc_node(sums[0], sums[1], cnts[0], cnts[1], nf_pad,
                         Wl, Wr, bl.reshape(1, H))

    X, Y = _sc_gather(out_table, src_p, dst_p)

    prob = _tc_edge(X, Y, W1[:H], W1[H:], b1.reshape(1, H),
                    W2.reshape(1, H), b2.reshape(1, 1))
    return prob

# --- scband reference (transcript-rebuilt; emitter-appended) ---
"""Pipeline reference for scband-edge-prob-sage-89781996355946 (READ-ONLY COPY).

The authoritative reference and input builder live on the scoring server;
editing this copy changes nothing except your own understanding.
"""

import jax, jax.numpy as jnp
import numpy as np

N = 10000
E = 320000
D = 128
H = 128

def setup_inputs(seed: int = 0) -> dict:
    key = jax.random.key(seed)
    ks = jax.random.split(key, 10)
    node_features = jax.random.normal(ks[0], (N, D), dtype=jnp.float32)
    edge_index = jax.random.randint(ks[1], (2, E), 0, N, dtype=jnp.int64)
    # SAGEConv params: lin_l (applied to aggregated neighbors, with bias), lin_r (root, no bias)
    Wl = jax.random.normal(ks[2], (D, H), dtype=jnp.float32) * 0.05
    bl = jax.random.normal(ks[3], (H,), dtype=jnp.float32) * 0.05
    Wr = jax.random.normal(ks[4], (D, H), dtype=jnp.float32) * 0.05
    # fc1: Linear(2H -> H), fc2: Linear(H -> 1)
    W1 = jax.random.normal(ks[5], (2 * H, H), dtype=jnp.float32) * 0.05
    b1 = jax.random.normal(ks[6], (H,), dtype=jnp.float32) * 0.05
    W2 = jax.random.normal(ks[7], (H, 1), dtype=jnp.float32) * 0.05
    b2 = jax.random.normal(ks[8], (1,), dtype=jnp.float32) * 0.05
    return {"node_features": node_features, "edge_index": edge_index,
            "Wl": Wl, "bl": bl, "Wr": Wr, "W1": W1, "b1": b1, "W2": W2, "b2": b2}

def reference(node_features, edge_index, Wl, bl, Wr, W1, b1, W2, b2):
    # eval mode: dropout is identity
    src = edge_index[0]
    dst = edge_index[1]
    # SAGEConv with mean aggregation: out = lin_l(mean_{j in N(i)} x_j) + lin_r(x_i)
    msg = jnp.take(node_features, src, axis=0)
    summed = jax.ops.segment_sum(msg, dst, num_segments=N)
    cnt = jax.ops.segment_sum(jnp.ones((E,), dtype=jnp.float32), dst, num_segments=N)
    mean = summed / jnp.clip(cnt, 1.0, None)[:, None]
    out = jax.nn.relu(mean @ Wl + bl + node_features @ Wr)
    # edge score MLP
    x = jnp.take(out, src, axis=0)
    y = jnp.take(out, dst, axis=0)
    edge_features = jnp.concatenate([x * y, x - y], axis=1)
    h = jax.nn.relu(edge_features @ W1 + b1)
    prob = jax.nn.sigmoid(h @ W2 + b2)
    return prob

if __name__ == "__main__":
    import jax
    _d = setup_inputs()
    print(jax.jit(kernel)(*tuple(_d.values())))

</pallas_src>

<mosaic_0001>
#map = affine_map<(d0, d1) -> (0, 0)>
#map1 = affine_map<(d0, d1) -> (0, 0, 0)>
module attributes {stable_mosaic.version = 14 : i64} {
  func.func @_sc_gather(%arg0: i32, %arg1: i32, %arg2: memref<10240x128xf32, #tpu.memory_space<hbm>>, %arg3: memref<32x79x128xi32, #tpu.memory_space<hbm>>, %arg4: memref<32x79x128xi32, #tpu.memory_space<hbm>>, %arg5: memref<323584x128xf32, #tpu.memory_space<hbm>>, %arg6: memref<323584x128xf32, #tpu.memory_space<hbm>>, %arg7: memref<79x128xi32, #tpu.memory_space<vmem>>, %arg8: memref<79x128xi32, #tpu.memory_space<vmem>>, %arg9: memref<128x128xf32, #tpu.memory_space<vmem>>, %arg10: memref<128x128xf32, #tpu.memory_space<vmem>>, %arg11: memref<!tpu.dma_semaphore, #tpu.memory_space<semaphore_mem>>, %arg12: memref<!tpu.dma_semaphore, #tpu.memory_space<semaphore_mem>>) attributes {dimension_semantics = [#tpu.dimension_semantics<core_parallel>, #tpu.dimension_semantics<subcore_parallel>], iteration_bounds = array<i64: 2, 16>, scalar_prefetch = 0 : i64, scratch_operands = 6 : i64, tpu.core_type = #tpu.core_type<sc_vector_subcore>, window_params = [{transform_indices = #map}, {transform_indices = #map1}, {transform_indices = #map1}, {transform_indices = #map}, {transform_indices = #map}]} {
    %mul3A = arith.constant 16 : i32
    %mul3A_0 = arith.muli %arg0, %mul3A : i32
    %add3A = arith.addi %mul3A_0, %arg1 : i32
    "tpu.region"() ({
      %run_scoped3A = tpu.sem_alloc : memref<!tpu.dma_semaphore, #tpu.memory_space<semaphore_mem>>
      %dma_start3A = arith.constant 0 : i32
      %dma_start3A_10 = arith.constant 0 : i32
      %dma_start3A_11 = tpu.memref_slice %arg3[%add3A, %dma_start3A, %dma_start3A_10] : memref<32x79x128xi32, #tpu.memory_space<hbm>> -> memref<1x79x128xi32, #tpu.memory_space<hbm>>
      %dma_start3A_12 = tpu.memref_squeeze %dma_start3A_11 : memref<1x79x128xi32, #tpu.memory_space<hbm>> -> memref<79x128xi32, #tpu.memory_space<hbm>>
      %dma_start3A_13 = arith.constant 0 : i32
      %dma_start3A_14 = arith.constant 0 : i32
      %dma_start3A_15 = tpu.memref_slice %arg3[%add3A, %dma_start3A_13, %dma_start3A_14] : memref<32x79x128xi32, #tpu.memory_space<hbm>> -> memref<1x79x128xi32, #tpu.memory_space<hbm>>
      %dma_start3A_16 = tpu.memref_squeeze %dma_start3A_15 : memref<1x79x128xi32, #tpu.memory_space<hbm>> -> memref<79x128xi32, #tpu.memory_space<hbm>>
      tpu.enqueue_dma source(%dma_start3A_16 : memref<79x128xi32, #tpu.memory_space<hbm>>) target(%arg7 : memref<79x128xi32, #tpu.memory_space<vmem>>) target_semaphore(%run_scoped3A : memref<!tpu.dma_semaphore, #tpu.memory_space<semaphore_mem>>)
      %dma_wait3A = arith.constant 0 : i32
      %dma_wait3A_17 = arith.constant 0 : i32
      %dma_wait3A_18 = tpu.memref_slice %arg3[%add3A, %dma_wait3A, %dma_wait3A_17] : memref<32x79x128xi32, #tpu.memory_space<hbm>> -> memref<1x79x128xi32, #tpu.memory_space<hbm>>
      %dma_wait3A_19 = tpu.memref_squeeze %dma_wait3A_18 : memref<1x79x128xi32, #tpu.memory_space<hbm>> -> memref<79x128xi32, #tpu.memory_space<hbm>>
      %dma_wait3A_20 = arith.constant 0 : i32
      %dma_wait3A_21 = arith.constant 0 : i32
      %dma_wait3A_22 = tpu.memref_slice %arg3[%add3A, %dma_wait3A_20, %dma_wait3A_21] : memref<32x79x128xi32, #tpu.memory_space<hbm>> -> memref<1x79x128xi32, #tpu.memory_space<hbm>>
      %dma_wait3A_23 = tpu.memref_squeeze %dma_wait3A_22 : memref<1x79x128xi32, #tpu.memory_space<hbm>> -> memref<79x128xi32, #tpu.memory_space<hbm>>
      tpu.wait_dma2 semaphore(%run_scoped3A : memref<!tpu.dma_semaphore, #tpu.memory_space<semaphore_mem>>) src(%dma_wait3A_23 : memref<79x128xi32, #tpu.memory_space<hbm>>) dst(%arg7 : memref<79x128xi32, #tpu.memory_space<vmem>>)
      tpu.yield
    }) : () -> ()
    "tpu.region"() ({
      %run_scoped3A = tpu.sem_alloc : memref<!tpu.dma_semaphore, #tpu.memory_space<semaphore_mem>>
      %dma_start3A = arith.constant 0 : i32
      %dma_start3A_10 = arith.constant 0 : i32
      %dma_start3A_11 = tpu.memref_slice %arg4[%add3A, %dma_start3A, %dma_start3A_10] : memref<32x79x128xi32, #tpu.memory_space<hbm>> -> memref<1x79x128xi32, #tpu.memory_space<hbm>>
      %dma_start3A_12 = tpu.memref_squeeze %dma_start3A_11 : memref<1x79x128xi32, #tpu.memory_space<hbm>> -> memref<79x128xi32, #tpu.memory_space<hbm>>
      %dma_start3A_13 = arith.constant 0 : i32
      %dma_start3A_14 = arith.constant 0 : i32
      %dma_start3A_15 = tpu.memref_slice %arg4[%add3A, %dma_start3A_13, %dma_start3A_14] : memref<32x79x128xi32, #tpu.memory_space<hbm>> -> memref<1x79x128xi32, #tpu.memory_space<hbm>>
      %dma_start3A_16 = tpu.memref_squeeze %dma_start3A_15 : memref<1x79x128xi32, #tpu.memory_space<hbm>> -> memref<79x128xi32, #tpu.memory_space<hbm>>
      tpu.enqueue_dma source(%dma_start3A_16 : memref<79x128xi32, #tpu.memory_space<hbm>>) target(%arg8 : memref<79x128xi32, #tpu.memory_space<vmem>>) target_semaphore(%run_scoped3A : memref<!tpu.dma_semaphore, #tpu.memory_space<semaphore_mem>>)
      %dma_wait3A = arith.constant 0 : i32
      %dma_wait3A_17 = arith.constant 0 : i32
      %dma_wait3A_18 = tpu.memref_slice %arg4[%add3A, %dma_wait3A, %dma_wait3A_17] : memref<32x79x128xi32, #tpu.memory_space<hbm>> -> memref<1x79x128xi32, #tpu.memory_space<hbm>>
      %dma_wait3A_19 = tpu.memref_squeeze %dma_wait3A_18 : memref<1x79x128xi32, #tpu.memory_space<hbm>> -> memref<79x128xi32, #tpu.memory_space<hbm>>
      %dma_wait3A_20 = arith.constant 0 : i32
      %dma_wait3A_21 = arith.constant 0 : i32
      %dma_wait3A_22 = tpu.memref_slice %arg4[%add3A, %dma_wait3A_20, %dma_wait3A_21] : memref<32x79x128xi32, #tpu.memory_space<hbm>> -> memref<1x79x128xi32, #tpu.memory_space<hbm>>
      %dma_wait3A_23 = tpu.memref_squeeze %dma_wait3A_22 : memref<1x79x128xi32, #tpu.memory_space<hbm>> -> memref<79x128xi32, #tpu.memory_space<hbm>>
      tpu.wait_dma2 semaphore(%run_scoped3A : memref<!tpu.dma_semaphore, #tpu.memory_space<semaphore_mem>>) src(%dma_wait3A_23 : memref<79x128xi32, #tpu.memory_space<hbm>>) dst(%arg8 : memref<79x128xi32, #tpu.memory_space<vmem>>)
      tpu.yield
    }) : () -> ()
    %mul3A_1 = arith.constant 79 : i32
    %mul3A_2 = arith.muli %add3A, %mul3A_1 : i32
    %mul3A_3 = arith.constant 128 : i32
    %mul3A_4 = arith.muli %mul3A_2, %mul3A_3 : i32
    %scan3A = arith.constant 0 : i32
    %scan3A_5 = arith.constant 0 : i32
    %scan3A_6 = arith.constant 79 : i32
    %scan3A_7 = arith.addi %scan3A_5, %scan3A_6 : i32
    %scan3A_8 = arith.constant 1 : i32
    scf.for %scan3A_10 = %scan3A_5 to %scan3A_7 step %scan3A_8  : i32 {
      %mul3A_11 = arith.constant 128 : i32
      %mul3A_12 = arith.muli %scan3A_10, %mul3A_11 : i32
      %add3A_13 = arith.addi %mul3A_4, %mul3A_12 : i32
      %dma_start3A = arith.constant 0 : i32
      %dma_start3A_14 = tpu.memref_slice %arg7[%scan3A_10, %dma_start3A] : memref<79x128xi32, #tpu.memory_space<vmem>> -> memref<1x128xi32, #tpu.memory_space<vmem>>
      %dma_start3A_15 = tpu.memref_squeeze %dma_start3A_14 : memref<1x128xi32, #tpu.memory_space<vmem>> -> memref<128xi32, #tpu.memory_space<vmem>>
      %dma_start3A_16 = arith.constant 0 : i32
      %dma_start3A_17 = arith.constant 0 : i32
      %dma_start3A_18 = tpu.memref_slice %arg2[%dma_start3A_16, %dma_start3A_17] : memref<10240x128xf32, #tpu.memory_space<hbm>> -> memref<10240x128xf32, #tpu.memory_space<hbm>>
      tpu.enqueue_indirect_dma source(%dma_start3A_18 : memref<10240x128xf32, #tpu.memory_space<hbm>>) target(%arg9 : memref<128x128xf32, #tpu.memory_space<vmem>>) offsets(%dma_start3A_15 : memref<128xi32, #tpu.memory_space<vmem>>) semaphore(%arg11 : memref<!tpu.dma_semaphore, #tpu.memory_space<semaphore_mem>>)
      %dma_start3A_19 = arith.constant 0 : i32
      %dma_start3A_20 = tpu.memref_slice %arg8[%scan3A_10, %dma_start3A_19] : memref<79x128xi32, #tpu.memory_space<vmem>> -> memref<1x128xi32, #tpu.memory_space<vmem>>
      %dma_start3A_21 = tpu.memref_squeeze %dma_start3A_20 : memref<1x128xi32, #tpu.memory_space<vmem>> -> memref<128xi32, #tpu.memory_space<vmem>>
      %dma_start3A_22 = arith.constant 0 : i32
      %dma_start3A_23 = arith.constant 0 : i32
      %dma_start3A_24 = tpu.memref_slice %arg2[%dma_start3A_22, %dma_start3A_23] : memref<10240x128xf32, #tpu.memory_space<hbm>> -> memref<10240x128xf32, #tpu.memory_space<hbm>>
      tpu.enqueue_indirect_dma source(%dma_start3A_24 : memref<10240x128xf32, #tpu.memory_space<hbm>>) target(%arg10 : memref<128x128xf32, #tpu.memory_space<vmem>>) offsets(%dma_start3A_21 : memref<128xi32, #tpu.memory_space<vmem>>) semaphore(%arg12 : memref<!tpu.dma_semaphore, #tpu.memory_space<semaphore_mem>>)
      %dma_wait3A = arith.constant 0 : i32
      %dma_wait3A_25 = tpu.memref_slice %arg7[%scan3A_10, %dma_wait3A] : memref<79x128xi32, #tpu.memory_space<vmem>> -> memref<1x128xi32, #tpu.memory_space<vmem>>
      %dma_wait3A_26 = tpu.memref_squeeze %dma_wait3A_25 : memref<1x128xi32, #tpu.memory_space<vmem>> -> memref<128xi32, #tpu.memory_space<vmem>>
      %dma_wait3A_27 = arith.constant 0 : i32
      %dma_wait3A_28 = arith.constant 0 : i32
      %dma_wait3A_29 = tpu.memref_slice %arg2[%dma_wait3A_27, %dma_wait3A_28] : memref<10240x128xf32, #tpu.memory_space<hbm>> -> memref<10240x128xf32, #tpu.memory_space<hbm>>
      tpu.wait_indirect_dma semaphore(%arg11 : memref<!tpu.dma_semaphore, #tpu.memory_space<semaphore_mem>>) src(%dma_wait3A_29 : memref<10240x128xf32, #tpu.memory_space<hbm>>) dst(%arg9 : memref<128x128xf32, #tpu.memory_space<vmem>>)
      "tpu.region"() ({
        %run_scoped3A = tpu.sem_alloc : memref<!tpu.dma_semaphore, #tpu.memory_space<semaphore_mem>>
        %dma_start3A_36 = arith.constant 0 : i32
        %dma_start3A_37 = tpu.memref_slice %arg5[%add3A_13, %dma_start3A_36] : memref<323584x128xf32, #tpu.memory_space<hbm>> -> memref<128x128xf32, #tpu.memory_space<hbm>>
        %dma_start3A_38 = arith.constant 0 : i32
        %dma_start3A_39 = tpu.memref_slice %arg5[%add3A_13, %dma_start3A_38] : memref<323584x128xf32, #tpu.memory_space<hbm>> -> memref<128x128xf32, #tpu.memory_space<hbm>>
        tpu.enqueue_dma source(%arg9 : memref<128x128xf32, #tpu.memory_space<vmem>>) target(%dma_start3A_39 : memref<128x128xf32, #tpu.memory_space<hbm>>) target_semaphore(%run_scoped3A : memref<!tpu.dma_semaphore, #tpu.memory_space<semaphore_mem>>)
        %dma_wait3A_40 = arith.constant 0 : i32
        %dma_wait3A_41 = tpu.memref_slice %arg5[%add3A_13, %dma_wait3A_40] : memref<323584x128xf32, #tpu.memory_space<hbm>> -> memref<128x128xf32, #tpu.memory_space<hbm>>
        %dma_wait3A_42 = arith.constant 0 : i32
        %dma_wait3A_43 = tpu.memref_slice %arg5[%add3A_13, %dma_wait3A_42] : memref<323584x128xf32, #tpu.memory_space<hbm>> -> memref<128x128xf32, #tpu.memory_space<hbm>>
        tpu.wait_dma2 semaphore(%run_scoped3A : memref<!tpu.dma_semaphore, #tpu.memory_space<semaphore_mem>>) src(%arg9 : memref<128x128xf32, #tpu.memory_space<vmem>>) dst(%dma_wait3A_43 : memref<128x128xf32, #tpu.memory_space<hbm>>)
        tpu.yield
      }) : () -> ()
      %dma_wait3A_30 = arith.constant 0 : i32
      %dma_wait3A_31 = tpu.memref_slice %arg8[%scan3A_10, %dma_wait3A_30] : memref<79x128xi32, #tpu.memory_space<vmem>> -> memref<1x128xi32, #tpu.memory_space<vmem>>
      %dma_wait3A_32 = tpu.memref_squeeze %dma_wait3A_31 : memref<1x128xi32, #tpu.memory_space<vmem>> -> memref<128xi32, #tpu.memory_space<vmem>>
      %dma_wait3A_33 = arith.constant 0 : i32
      %dma_wait3A_34 = arith.constant 0 : i32
      %dma_wait3A_35 = tpu.memref_slice %arg2[%dma_wait3A_33, %dma_wait3A_34] : memref<10240x128xf32, #tpu.memory_space<hbm>> -> memref<10240x128xf32, #tpu.memory_space<hbm>>
      tpu.wait_indirect_dma semaphore(%arg12 : memref<!tpu.dma_semaphore, #tpu.memory_space<semaphore_mem>>) src(%dma_wait3A_35 : memref<10240x128xf32, #tpu.memory_space<hbm>>) dst(%arg10 : memref<128x128xf32, #tpu.memory_space<vmem>>)
      "tpu.region"() ({
        %run_scoped3A = tpu.sem_alloc : memref<!tpu.dma_semaphore, #tpu.memory_space<semaphore_mem>>
        %dma_start3A_36 = arith.constant 0 : i32
        %dma_start3A_37 = tpu.memref_slice %arg6[%add3A_13, %dma_start3A_36] : memref<323584x128xf32, #tpu.memory_space<hbm>> -> memref<128x128xf32, #tpu.memory_space<hbm>>
        %dma_start3A_38 = arith.constant 0 : i32
        %dma_start3A_39 = tpu.memref_slice %arg6[%add3A_13, %dma_start3A_38] : memref<323584x128xf32, #tpu.memory_space<hbm>> -> memref<128x128xf32, #tpu.memory_space<hbm>>
        tpu.enqueue_dma source(%arg10 : memref<128x128xf32, #tpu.memory_space<vmem>>) target(%dma_start3A_39 : memref<128x128xf32, #tpu.memory_space<hbm>>) target_semaphore(%run_scoped3A : memref<!tpu.dma_semaphore, #tpu.memory_space<semaphore_mem>>)
        %dma_wait3A_40 = arith.constant 0 : i32
        %dma_wait3A_41 = tpu.memref_slice %arg6[%add3A_13, %dma_wait3A_40] : memref<323584x128xf32, #tpu.memory_space<hbm>> -> memref<128x128xf32, #tpu.memory_space<hbm>>
        %dma_wait3A_42 = arith.constant 0 : i32
        %dma_wait3A_43 = tpu.memref_slice %arg6[%add3A_13, %dma_wait3A_42] : memref<323584x128xf32, #tpu.memory_space<hbm>> -> memref<128x128xf32, #tpu.memory_space<hbm>>
        tpu.wait_dma2 semaphore(%run_scoped3A : memref<!tpu.dma_semaphore, #tpu.memory_space<semaphore_mem>>) src(%arg10 : memref<128x128xf32, #tpu.memory_space<vmem>>) dst(%dma_wait3A_43 : memref<128x128xf32, #tpu.memory_space<hbm>>)
        tpu.yield
      }) : () -> ()
    }
    %scan3A_9 = arith.constant 79 : i32
    return
  }
}

#map = affine_map<(d0, d1) -> (0, 0)>
#map1 = affine_map<(d0, d1) -> (0, 0, 0)>
module attributes {stable_mosaic.version = 14 : i64} {
  func.func @_sc_segsum(%arg0: i32, %arg1: i32, %arg2: memref<10000x128xf32, #tpu.memory_space<hbm>>, %arg3: memref<32x79x128xi32, #tpu.memory_space<hbm>>, %arg4: memref<32x79x128xi32, #tpu.memory_space<hbm>>, %arg5: memref<640x128xf32, #tpu.memory_space<hbm>>, %arg6: memref<2x10240x128xf32, #tpu.memory_space<hbm>>, %arg7: memref<79x128xi32, #tpu.memory_space<vmem>>, %arg8: memref<79x128xi32, #tpu.memory_space<vmem>>, %arg9: memref<128x128xf32, #tpu.memory_space<vmem>>, %arg10: memref<10240x128xf32, #tpu.memory_space<vmem_shared>>, %arg11: memref<!tpu.dma_semaphore, #tpu.memory_space<semaphore_mem>>) attributes {dimension_semantics = [#tpu.dimension_semantics<core_parallel>, #tpu.dimension_semantics<subcore_parallel>], iteration_bounds = array<i64: 2, 16>, scalar_prefetch = 0 : i64, scratch_operands = 5 : i64, tpu.core_type = #tpu.core_type<sc_vector_subcore>, window_params = [{transform_indices = #map}, {transform_indices = #map1}, {transform_indices = #map1}, {transform_indices = #map}, {transform_indices = #map1}]} {
    %mul3A = arith.constant 16 : i32
    %mul3A_0 = arith.muli %arg0, %mul3A : i32
    %add3A = arith.addi %mul3A_0, %arg1 : i32
    "tpu.region"() ({
      %run_scoped3A = tpu.sem_alloc : memref<!tpu.dma_semaphore, #tpu.memory_space<semaphore_mem>>
      %dma_start3A = arith.constant 0 : i32
      %dma_start3A_9 = arith.constant 0 : i32
      %dma_start3A_10 = tpu.memref_slice %arg3[%add3A, %dma_start3A, %dma_start3A_9] : memref<32x79x128xi32, #tpu.memory_space<hbm>> -> memref<1x79x128xi32, #tpu.memory_space<hbm>>
      %dma_start3A_11 = tpu.memref_squeeze %dma_start3A_10 : memref<1x79x128xi32, #tpu.memory_space<hbm>> -> memref<79x128xi32, #tpu.memory_space<hbm>>
      %dma_start3A_12 = arith.constant 0 : i32
      %dma_start3A_13 = arith.constant 0 : i32
      %dma_start3A_14 = tpu.memref_slice %arg3[%add3A, %dma_start3A_12, %dma_start3A_13] : memref<32x79x128xi32, #tpu.memory_space<hbm>> -> memref<1x79x128xi32, #tpu.memory_space<hbm>>
      %dma_start3A_15 = tpu.memref_squeeze %dma_start3A_14 : memref<1x79x128xi32, #tpu.memory_space<hbm>> -> memref<79x128xi32, #tpu.memory_space<hbm>>
      tpu.enqueue_dma source(%dma_start3A_15 : memref<79x128xi32, #tpu.memory_space<hbm>>) target(%arg7 : memref<79x128xi32, #tpu.memory_space<vmem>>) target_semaphore(%run_scoped3A : memref<!tpu.dma_semaphore, #tpu.memory_space<semaphore_mem>>)
      %dma_wait3A = arith.constant 0 : i32
      %dma_wait3A_16 = arith.constant 0 : i32
      %dma_wait3A_17 = tpu.memref_slice %arg3[%add3A, %dma_wait3A, %dma_wait3A_16] : memref<32x79x128xi32, #tpu.memory_space<hbm>> -> memref<1x79x128xi32, #tpu.memory_space<hbm>>
      %dma_wait3A_18 = tpu.memref_squeeze %dma_wait3A_17 : memref<1x79x128xi32, #tpu.memory_space<hbm>> -> memref<79x128xi32, #tpu.memory_space<hbm>>
      %dma_wait3A_19 = arith.constant 0 : i32
      %dma_wait3A_20 = arith.constant 0 : i32
      %dma_wait3A_21 = tpu.memref_slice %arg3[%add3A, %dma_wait3A_19, %dma_wait3A_20] : memref<32x79x128xi32, #tpu.memory_space<hbm>> -> memref<1x79x128xi32, #tpu.memory_space<hbm>>
      %dma_wait3A_22 = tpu.memref_squeeze %dma_wait3A_21 : memref<1x79x128xi32, #tpu.memory_space<hbm>> -> memref<79x128xi32, #tpu.memory_space<hbm>>
      tpu.wait_dma2 semaphore(%run_scoped3A : memref<!tpu.dma_semaphore, #tpu.memory_space<semaphore_mem>>) src(%dma_wait3A_22 : memref<79x128xi32, #tpu.memory_space<hbm>>) dst(%arg7 : memref<79x128xi32, #tpu.memory_space<vmem>>)
      tpu.yield
    }) : () -> ()
    "tpu.region"() ({
      %run_scoped3A = tpu.sem_alloc : memref<!tpu.dma_semaphore, #tpu.memory_space<semaphore_mem>>
      %dma_start3A = arith.constant 0 : i32
      %dma_start3A_9 = arith.constant 0 : i32
      %dma_start3A_10 = tpu.memref_slice %arg4[%add3A, %dma_start3A, %dma_start3A_9] : memref<32x79x128xi32, #tpu.memory_space<hbm>> -> memref<1x79x128xi32, #tpu.memory_space<hbm>>
      %dma_start3A_11 = tpu.memref_squeeze %dma_start3A_10 : memref<1x79x128xi32, #tpu.memory_space<hbm>> -> memref<79x128xi32, #tpu.memory_space<hbm>>
      %dma_start3A_12 = arith.constant 0 : i32
      %dma_start3A_13 = arith.constant 0 : i32
      %dma_start3A_14 = tpu.memref_slice %arg4[%add3A, %dma_start3A_12, %dma_start3A_13] : memref<32x79x128xi32, #tpu.memory_space<hbm>> -> memref<1x79x128xi32, #tpu.memory_space<hbm>>
      %dma_start3A_15 = tpu.memref_squeeze %dma_start3A_14 : memref<1x79x128xi32, #tpu.memory_space<hbm>> -> memref<79x128xi32, #tpu.memory_space<hbm>>
      tpu.enqueue_dma source(%dma_start3A_15 : memref<79x128xi32, #tpu.memory_space<hbm>>) target(%arg8 : memref<79x128xi32, #tpu.memory_space<vmem>>) target_semaphore(%run_scoped3A : memref<!tpu.dma_semaphore, #tpu.memory_space<semaphore_mem>>)
      %dma_wait3A = arith.constant 0 : i32
      %dma_wait3A_16 = arith.constant 0 : i32
      %dma_wait3A_17 = tpu.memref_slice %arg4[%add3A, %dma_wait3A, %dma_wait3A_16] : memref<32x79x128xi32, #tpu.memory_space<hbm>> -> memref<1x79x128xi32, #tpu.memory_space<hbm>>
      %dma_wait3A_18 = tpu.memref_squeeze %dma_wait3A_17 : memref<1x79x128xi32, #tpu.memory_space<hbm>> -> memref<79x128xi32, #tpu.memory_space<hbm>>
      %dma_wait3A_19 = arith.constant 0 : i32
      %dma_wait3A_20 = arith.constant 0 : i32
      %dma_wait3A_21 = tpu.memref_slice %arg4[%add3A, %dma_wait3A_19, %dma_wait3A_20] : memref<32x79x128xi32, #tpu.memory_space<hbm>> -> memref<1x79x128xi32, #tpu.memory_space<hbm>>
      %dma_wait3A_22 = tpu.memref_squeeze %dma_wait3A_21 : memref<1x79x128xi32, #tpu.memory_space<hbm>> -> memref<79x128xi32, #tpu.memory_space<hbm>>
      tpu.wait_dma2 semaphore(%run_scoped3A : memref<!tpu.dma_semaphore, #tpu.memory_space<semaphore_mem>>) src(%dma_wait3A_22 : memref<79x128xi32, #tpu.memory_space<hbm>>) dst(%arg8 : memref<79x128xi32, #tpu.memory_space<vmem>>)
      tpu.yield
    }) : () -> ()
    %mul3A_1 = arith.constant 640 : i32
    %mul3A_2 = arith.muli %arg1, %mul3A_1 : i32
    "tpu.region"() ({
      %run_scoped3A = tpu.sem_alloc : memref<!tpu.dma_semaphore, #tpu.memory_space<semaphore_mem>>
      %dma_start3A = arith.constant 0 : i32
      %dma_start3A_9 = tpu.memref_slice %arg10[%mul3A_2, %dma_start3A] : memref<10240x128xf32, #tpu.memory_space<vmem_shared>> -> memref<640x128xf32, #tpu.memory_space<vmem_shared>>
      tpu.enqueue_dma source(%arg5 : memref<640x128xf32, #tpu.memory_space<hbm>>) target(%dma_start3A_9 : memref<640x128xf32, #tpu.memory_space<vmem_shared>>) target_semaphore(%run_scoped3A : memref<!tpu.dma_semaphore, #tpu.memory_space<semaphore_mem>>)
      %dma_wait3A = arith.constant 0 : i32
      %dma_wait3A_10 = tpu.memref_slice %arg10[%mul3A_2, %dma_wait3A] : memref<10240x128xf32, #tpu.memory_space<vmem_shared>> -> memref<640x128xf32, #tpu.memory_space<vmem_shared>>
      tpu.wait_dma2 semaphore(%run_scoped3A : memref<!tpu.dma_semaphore, #tpu.memory_space<semaphore_mem>>) src(%arg5 : memref<640x128xf32, #tpu.memory_space<hbm>>) dst(%dma_wait3A_10 : memref<640x128xf32, #tpu.memory_space<vmem_shared>>)
      tpu.yield
    }) : () -> ()
    %barrier3A = arith.constant 0 : index
    tpu.barrier barrier_id(%barrier3A)
    %scan3A = arith.constant 0 : i32
    %scan3A_3 = arith.constant 0 : i32
    %scan3A_4 = arith.constant 79 : i32
    %scan3A_5 = arith.addi %scan3A_3, %scan3A_4 : i32
    %scan3A_6 = arith.constant 1 : i32
    scf.for %scan3A_9 = %scan3A_3 to %scan3A_5 step %scan3A_6  : i32 {
      %dma_start3A = arith.constant 0 : i32
      %dma_start3A_10 = tpu.memref_slice %arg7[%scan3A_9, %dma_start3A] : memref<79x128xi32, #tpu.memory_space<vmem>> -> memref<1x128xi32, #tpu.memory_space<vmem>>
      %dma_start3A_11 = tpu.memref_squeeze %dma_start3A_10 : memref<1x128xi32, #tpu.memory_space<vmem>> -> memref<128xi32, #tpu.memory_space<vmem>>
      %dma_start3A_12 = arith.constant 0 : i32
      %dma_start3A_13 = arith.constant 0 : i32
      %dma_start3A_14 = tpu.memref_slice %arg2[%dma_start3A_12, %dma_start3A_13] : memref<10000x128xf32, #tpu.memory_space<hbm>> -> memref<10000x128xf32, #tpu.memory_space<hbm>>
      tpu.enqueue_indirect_dma source(%dma_start3A_14 : memref<10000x128xf32, #tpu.memory_space<hbm>>) target(%arg9 : memref<128x128xf32, #tpu.memory_space<vmem>>) offsets(%dma_start3A_11 : memref<128xi32, #tpu.memory_space<vmem>>) semaphore(%arg11 : memref<!tpu.dma_semaphore, #tpu.memory_space<semaphore_mem>>)
      %dma_wait3A = arith.constant 0 : i32
      %dma_wait3A_15 = tpu.memref_slice %arg7[%scan3A_9, %dma_wait3A] : memref<79x128xi32, #tpu.memory_space<vmem>> -> memref<1x128xi32, #tpu.memory_space<vmem>>
      %dma_wait3A_16 = tpu.memref_squeeze %dma_wait3A_15 : memref<1x128xi32, #tpu.memory_space<vmem>> -> memref<128xi32, #tpu.memory_space<vmem>>
      %dma_wait3A_17 = arith.constant 0 : i32
      %dma_wait3A_18 = arith.constant 0 : i32
      %dma_wait3A_19 = tpu.memref_slice %arg2[%dma_wait3A_17, %dma_wait3A_18] : memref<10000x128xf32, #tpu.memory_space<hbm>> -> memref<10000x128xf32, #tpu.memory_space<hbm>>
      tpu.wait_indirect_dma semaphore(%arg11 : memref<!tpu.dma_semaphore, #tpu.memory_space<semaphore_mem>>) src(%dma_wait3A_19 : memref<10000x128xf32, #tpu.memory_space<hbm>>) dst(%arg9 : memref<128x128xf32, #tpu.memory_space<vmem>>)
      "tpu.region"() ({
        %run_scoped3A = tpu.sem_alloc : memref<!tpu.dma_semaphore, #tpu.memory_space<semaphore_mem>>
        %dma_start3A_20 = arith.constant 0 : i32
        %dma_start3A_21 = tpu.memref_slice %arg8[%scan3A_9, %dma_start3A_20] : memref<79x128xi32, #tpu.memory_space<vmem>> -> memref<1x128xi32, #tpu.memory_space<vmem>>
        %dma_start3A_22 = tpu.memref_squeeze %dma_start3A_21 : memref<1x128xi32, #tpu.memory_space<vmem>> -> memref<128xi32, #tpu.memory_space<vmem>>
        %dma_start3A_23 = arith.constant 0 : i32
        %dma_start3A_24 = arith.constant 0 : i32
        %dma_start3A_25 = tpu.memref_slice %arg10[%dma_start3A_23, %dma_start3A_24] : memref<10240x128xf32, #tpu.memory_space<vmem_shared>> -> memref<10240x128xf32, #tpu.memory_space<vmem_shared>>
        tpu.enqueue_indirect_dma source(%arg9 : memref<128x128xf32, #tpu.memory_space<vmem>>) target(%dma_start3A_25 : memref<10240x128xf32, #tpu.memory_space<vmem_shared>>) offsets(%dma_start3A_22 : memref<128xi32, #tpu.memory_space<vmem>>) semaphore(%run_scoped3A : memref<!tpu.dma_semaphore, #tpu.memory_space<semaphore_mem>>) {add = true}
        %dma_wait3A_26 = arith.constant 0 : i32
        %dma_wait3A_27 = tpu.memref_slice %arg8[%scan3A_9, %dma_wait3A_26] : memref<79x128xi32, #tpu.memory_space<vmem>> -> memref<1x128xi32, #tpu.memory_space<vmem>>
        %dma_wait3A_28 = tpu.memref_squeeze %dma_wait3A_27 : memref<1x128xi32, #tpu.memory_space<vmem>> -> memref<128xi32, #tpu.memory_space<vmem>>
        %dma_wait3A_29 = arith.constant 0 : i32
        %dma_wait3A_30 = arith.constant 0 : i32
        %dma_wait3A_31 = tpu.memref_slice %arg10[%dma_wait3A_29, %dma_wait3A_30] : memref<10240x128xf32, #tpu.memory_space<vmem_shared>> -> memref<10240x128xf32, #tpu.memory_space<vmem_shared>>
        tpu.wait_indirect_dma semaphore(%run_scoped3A : memref<!tpu.dma_semaphore, #tpu.memory_space<semaphore_mem>>) src(%arg9 : memref<128x128xf32, #tpu.memory_space<vmem>>) dst(%dma_wait3A_31 : memref<10240x128xf32, #tpu.memory_space<vmem_shared>>)
        tpu.yield
      }) : () -> ()
    }
    %scan3A_7 = arith.constant 79 : i32
    %barrier3A_8 = arith.constant 0 : index
    tpu.barrier barrier_id(%barrier3A_8)
    "tpu.region"() ({
      %run_scoped3A = tpu.sem_alloc : memref<!tpu.dma_semaphore, #tpu.memory_space<semaphore_mem>>
      %dma_start3A = arith.constant 0 : i32
      %dma_start3A_9 = tpu.memref_slice %arg6[%arg0, %mul3A_2, %dma_start3A] : memref<2x10240x128xf32, #tpu.memory_space<hbm>> -> memref<1x640x128xf32, #tpu.memory_space<hbm>>
      %dma_start3A_10 = tpu.memref_squeeze %dma_start3A_9 : memref<1x640x128xf32, #tpu.memory_space<hbm>> -> memref<640x128xf32, #tpu.memory_space<hbm>>
      %dma_start3A_11 = arith.constant 0 : i32
      %dma_start3A_12 = tpu.memref_slice %arg10[%mul3A_2, %dma_start3A_11] : memref<10240x128xf32, #tpu.memory_space<vmem_shared>> -> memref<640x128xf32, #tpu.memory_space<vmem_shared>>
      tpu.enqueue_dma source(%dma_start3A_12 : memref<640x128xf32, #tpu.memory_space<vmem_shared>>) target(%dma_start3A_10 : memref<640x128xf32, #tpu.memory_space<hbm>>) target_semaphore(%run_scoped3A : memref<!tpu.dma_semaphore, #tpu.memory_space<semaphore_mem>>)
      %dma_wait3A = arith.constant 0 : i32
      %dma_wait3A_13 = tpu.memref_slice %arg6[%arg0, %mul3A_2, %dma_wait3A] : memref<2x10240x128xf32, #tpu.memory_space<hbm>> -> memref<1x640x128xf32, #tpu.memory_space<hbm>>
      %dma_wait3A_14 = tpu.memref_squeeze %dma_wait3A_13 : memref<1x640x128xf32, #tpu.memory_space<hbm>> -> memref<640x128xf32, #tpu.memory_space<hbm>>
      %dma_wait3A_15 = arith.constant 0 : i32
      %dma_wait3A_16 = tpu.memref_slice %arg10[%mul3A_2, %dma_wait3A_15] : memref<10240x128xf32, #tpu.memory_space<vmem_shared>> -> memref<640x128xf32, #tpu.memory_space<vmem_shared>>
      tpu.wait_dma2 semaphore(%run_scoped3A : memref<!tpu.dma_semaphore, #tpu.memory_space<semaphore_mem>>) src(%dma_wait3A_16 : memref<640x128xf32, #tpu.memory_space<vmem_shared>>) dst(%dma_wait3A_14 : memref<640x128xf32, #tpu.memory_space<hbm>>)
      tpu.yield
    }) : () -> ()
    return
  }
}

#map = affine_map<(d0, d1) -> (0, 0, 0)>
#map1 = affine_map<(d0, d1) -> (0, 0)>
module attributes {stable_mosaic.version = 14 : i64} {
  func.func @_sc_counts(%arg0: i32, %arg1: i32, %arg2: memref<32x79x128xi32, #tpu.memory_space<hbm>>, %arg3: memref<640x128xf32, #tpu.memory_space<hbm>>, %arg4: memref<128x128xf32, #tpu.memory_space<hbm>>, %arg5: memref<2x10240x128xf32, #tpu.memory_space<hbm>>, %arg6: memref<79x128xi32, #tpu.memory_space<vmem>>, %arg7: memref<128x128xf32, #tpu.memory_space<vmem>>, %arg8: memref<10240x128xf32, #tpu.memory_space<vmem_shared>>) attributes {dimension_semantics = [#tpu.dimension_semantics<core_parallel>, #tpu.dimension_semantics<subcore_parallel>], iteration_bounds = array<i64: 2, 16>, scalar_prefetch = 0 : i64, scratch_operands = 3 : i64, tpu.core_type = #tpu.core_type<sc_vector_subcore>, window_params = [{transform_indices = #map}, {transform_indices = #map1}, {transform_indices = #map1}, {transform_indices = #map}]} {
    %mul3A = arith.constant 16 : i32
    %mul3A_0 = arith.muli %arg0, %mul3A : i32
    %add3A = arith.addi %mul3A_0, %arg1 : i32
    "tpu.region"() ({
      %run_scoped3A = tpu.sem_alloc : memref<!tpu.dma_semaphore, #tpu.memory_space<semaphore_mem>>
      %dma_start3A = arith.constant 0 : i32
      %dma_start3A_9 = arith.constant 0 : i32
      %dma_start3A_10 = tpu.memref_slice %arg2[%add3A, %dma_start3A, %dma_start3A_9] : memref<32x79x128xi32, #tpu.memory_space<hbm>> -> memref<1x79x128xi32, #tpu.memory_space<hbm>>
      %dma_start3A_11 = tpu.memref_squeeze %dma_start3A_10 : memref<1x79x128xi32, #tpu.memory_space<hbm>> -> memref<79x128xi32, #tpu.memory_space<hbm>>
      %dma_start3A_12 = arith.constant 0 : i32
      %dma_start3A_13 = arith.constant 0 : i32
      %dma_start3A_14 = tpu.memref_slice %arg2[%add3A, %dma_start3A_12, %dma_start3A_13] : memref<32x79x128xi32, #tpu.memory_space<hbm>> -> memref<1x79x128xi32, #tpu.memory_space<hbm>>
      %dma_start3A_15 = tpu.memref_squeeze %dma_start3A_14 : memref<1x79x128xi32, #tpu.memory_space<hbm>> -> memref<79x128xi32, #tpu.memory_space<hbm>>
      tpu.enqueue_dma source(%dma_start3A_15 : memref<79x128xi32, #tpu.memory_space<hbm>>) target(%arg6 : memref<79x128xi32, #tpu.memory_space<vmem>>) target_semaphore(%run_scoped3A : memref<!tpu.dma_semaphore, #tpu.memory_space<semaphore_mem>>)
      %dma_wait3A = arith.constant 0 : i32
      %dma_wait3A_16 = arith.constant 0 : i32
      %dma_wait3A_17 = tpu.memref_slice %arg2[%add3A, %dma_wait3A, %dma_wait3A_16] : memref<32x79x128xi32, #tpu.memory_space<hbm>> -> memref<1x79x128xi32, #tpu.memory_space<hbm>>
      %dma_wait3A_18 = tpu.memref_squeeze %dma_wait3A_17 : memref<1x79x128xi32, #tpu.memory_space<hbm>> -> memref<79x128xi32, #tpu.memory_space<hbm>>
      %dma_wait3A_19 = arith.constant 0 : i32
      %dma_wait3A_20 = arith.constant 0 : i32
      %dma_wait3A_21 = tpu.memref_slice %arg2[%add3A, %dma_wait3A_19, %dma_wait3A_20] : memref<32x79x128xi32, #tpu.memory_space<hbm>> -> memref<1x79x128xi32, #tpu.memory_space<hbm>>
      %dma_wait3A_22 = tpu.memref_squeeze %dma_wait3A_21 : memref<1x79x128xi32, #tpu.memory_space<hbm>> -> memref<79x128xi32, #tpu.memory_space<hbm>>
      tpu.wait_dma2 semaphore(%run_scoped3A : memref<!tpu.dma_semaphore, #tpu.memory_space<semaphore_mem>>) src(%dma_wait3A_22 : memref<79x128xi32, #tpu.memory_space<hbm>>) dst(%arg6 : memref<79x128xi32, #tpu.memory_space<vmem>>)
      tpu.yield
    }) : () -> ()
    "tpu.region"() ({
      %run_scoped3A = tpu.sem_alloc : memref<!tpu.dma_semaphore, #tpu.memory_space<semaphore_mem>>
      tpu.enqueue_dma source(%arg4 : memref<128x128xf32, #tpu.memory_space<hbm>>) target(%arg7 : memref<128x128xf32, #tpu.memory_space<vmem>>) target_semaphore(%run_scoped3A : memref<!tpu.dma_semaphore, #tpu.memory_space<semaphore_mem>>)
      tpu.wait_dma2 semaphore(%run_scoped3A : memref<!tpu.dma_semaphore, #tpu.memory_space<semaphore_mem>>) src(%arg4 : memref<128x128xf32, #tpu.memory_space<hbm>>) dst(%arg7 : memref<128x128xf32, #tpu.memory_space<vmem>>)
      tpu.yield
    }) : () -> ()
    %mul3A_1 = arith.constant 640 : i32
    %mul3A_2 = arith.muli %arg1, %mul3A_1 : i32
    "tpu.region"() ({
      %run_scoped3A = tpu.sem_alloc : memref<!tpu.dma_semaphore, #tpu.memory_space<semaphore_mem>>
      %dma_start3A = arith.constant 0 : i32
      %dma_start3A_9 = tpu.memref_slice %arg8[%mul3A_2, %dma_start3A] : memref<10240x128xf32, #tpu.memory_space<vmem_shared>> -> memref<640x128xf32, #tpu.memory_space<vmem_shared>>
      tpu.enqueue_dma source(%arg3 : memref<640x128xf32, #tpu.memory_space<hbm>>) target(%dma_start3A_9 : memref<640x128xf32, #tpu.memory_space<vmem_shared>>) target_semaphore(%run_scoped3A : memref<!tpu.dma_semaphore, #tpu.memory_space<semaphore_mem>>)
      %dma_wait3A = arith.constant 0 : i32
      %dma_wait3A_10 = tpu.memref_slice %arg8[%mul3A_2, %dma_wait3A] : memref<10240x128xf32, #tpu.memory_space<vmem_shared>> -> memref<640x128xf32, #tpu.memory_space<vmem_shared>>
      tpu.wait_dma2 semaphore(%run_scoped3A : memref<!tpu.dma_semaphore, #tpu.memory_space<semaphore_mem>>) src(%arg3 : memref<640x128xf32, #tpu.memory_space<hbm>>) dst(%dma_wait3A_10 : memref<640x128xf32, #tpu.memory_space<vmem_shared>>)
      tpu.yield
    }) : () -> ()
    %barrier3A = arith.constant 0 : index
    tpu.barrier barrier_id(%barrier3A)
    %scan3A = arith.constant 0 : i32
    %scan3A_3 = arith.constant 0 : i32
    %scan3A_4 = arith.constant 79 : i32
    %scan3A_5 = arith.addi %scan3A_3, %scan3A_4 : i32
    %scan3A_6 = arith.constant 1 : i32
    scf.for %scan3A_9 = %scan3A_3 to %scan3A_5 step %scan3A_6  : i32 {
      "tpu.region"() ({
        %run_scoped3A = tpu.sem_alloc : memref<!tpu.dma_semaphore, #tpu.memory_space<semaphore_mem>>
        %dma_start3A = arith.constant 0 : i32
        %dma_start3A_10 = tpu.memref_slice %arg6[%scan3A_9, %dma_start3A] : memref<79x128xi32, #tpu.memory_space<vmem>> -> memref<1x128xi32, #tpu.memory_space<vmem>>
        %dma_start3A_11 = tpu.memref_squeeze %dma_start3A_10 : memref<1x128xi32, #tpu.memory_space<vmem>> -> memref<128xi32, #tpu.memory_space<vmem>>
        %dma_start3A_12 = arith.constant 0 : i32
        %dma_start3A_13 = arith.constant 0 : i32
        %dma_start3A_14 = tpu.memref_slice %arg8[%dma_start3A_12, %dma_start3A_13] : memref<10240x128xf32, #tpu.memory_space<vmem_shared>> -> memref<10240x128xf32, #tpu.memory_space<vmem_shared>>
        tpu.enqueue_indirect_dma source(%arg7 : memref<128x128xf32, #tpu.memory_space<vmem>>) target(%dma_start3A_14 : memref<10240x128xf32, #tpu.memory_space<vmem_shared>>) offsets(%dma_start3A_11 : memref<128xi32, #tpu.memory_space<vmem>>) semaphore(%run_scoped3A : memref<!tpu.dma_semaphore, #tpu.memory_space<semaphore_mem>>) {add = true}
        %dma_wait3A = arith.constant 0 : i32
        %dma_wait3A_15 = tpu.memref_slice %arg6[%scan3A_9, %dma_wait3A] : memref<79x128xi32, #tpu.memory_space<vmem>> -> memref<1x128xi32, #tpu.memory_space<vmem>>
        %dma_wait3A_16 = tpu.memref_squeeze %dma_wait3A_15 : memref<1x128xi32, #tpu.memory_space<vmem>> -> memref<128xi32, #tpu.memory_space<vmem>>
        %dma_wait3A_17 = arith.constant 0 : i32
        %dma_wait3A_18 = arith.constant 0 : i32
        %dma_wait3A_19 = tpu.memref_slice %arg8[%dma_wait3A_17, %dma_wait3A_18] : memref<10240x128xf32, #tpu.memory_space<vmem_shared>> -> memref<10240x128xf32, #tpu.memory_space<vmem_shared>>
        tpu.wait_indirect_dma semaphore(%run_scoped3A : memref<!tpu.dma_semaphore, #tpu.memory_space<semaphore_mem>>) src(%arg7 : memref<128x128xf32, #tpu.memory_space<vmem>>) dst(%dma_wait3A_19 : memref<10240x128xf32, #tpu.memory_space<vmem_shared>>)
        tpu.yield
      }) : () -> ()
    }
    %scan3A_7 = arith.constant 79 : i32
    %barrier3A_8 = arith.constant 0 : index
    tpu.barrier barrier_id(%barrier3A_8)
    "tpu.region"() ({
      %run_scoped3A = tpu.sem_alloc : memref<!tpu.dma_semaphore, #tpu.memory_space<semaphore_mem>>
      %dma_start3A = arith.constant 0 : i32
      %dma_start3A_9 = tpu.memref_slice %arg5[%arg0, %mul3A_2, %dma_start3A] : memref<2x10240x128xf32, #tpu.memory_space<hbm>> -> memref<1x640x128xf32, #tpu.memory_space<hbm>>
      %dma_start3A_10 = tpu.memref_squeeze %dma_start3A_9 : memref<1x640x128xf32, #tpu.memory_space<hbm>> -> memref<640x128xf32, #tpu.memory_space<hbm>>
      %dma_start3A_11 = arith.constant 0 : i32
      %dma_start3A_12 = tpu.memref_slice %arg8[%mul3A_2, %dma_start3A_11] : memref<10240x128xf32, #tpu.memory_space<vmem_shared>> -> memref<640x128xf32, #tpu.memory_space<vmem_shared>>
      tpu.enqueue_dma source(%dma_start3A_12 : memref<640x128xf32, #tpu.memory_space<vmem_shared>>) target(%dma_start3A_10 : memref<640x128xf32, #tpu.memory_space<hbm>>) target_semaphore(%run_scoped3A : memref<!tpu.dma_semaphore, #tpu.memory_space<semaphore_mem>>)
      %dma_wait3A = arith.constant 0 : i32
      %dma_wait3A_13 = tpu.memref_slice %arg5[%arg0, %mul3A_2, %dma_wait3A] : memref<2x10240x128xf32, #tpu.memory_space<hbm>> -> memref<1x640x128xf32, #tpu.memory_space<hbm>>
      %dma_wait3A_14 = tpu.memref_squeeze %dma_wait3A_13 : memref<1x640x128xf32, #tpu.memory_space<hbm>> -> memref<640x128xf32, #tpu.memory_space<hbm>>
      %dma_wait3A_15 = arith.constant 0 : i32
      %dma_wait3A_16 = tpu.memref_slice %arg8[%mul3A_2, %dma_wait3A_15] : memref<10240x128xf32, #tpu.memory_space<vmem_shared>> -> memref<640x128xf32, #tpu.memory_space<vmem_shared>>
      tpu.wait_dma2 semaphore(%run_scoped3A : memref<!tpu.dma_semaphore, #tpu.memory_space<semaphore_mem>>) src(%dma_wait3A_16 : memref<640x128xf32, #tpu.memory_space<vmem_shared>>) dst(%dma_wait3A_14 : memref<640x128xf32, #tpu.memory_space<hbm>>)
      tpu.yield
    }) : () -> ()
    return
  }
}

module attributes {stable_mosaic.version = 14 : i64} {
  func.func @_tc_node_body(%arg0: i32, %arg1: memref<512x128xf32, #tpu.memory_space<vmem>>, %arg2: memref<512x128xf32, #tpu.memory_space<vmem>>, %arg3: memref<512x128xf32, #tpu.memory_space<vmem>>, %arg4: memref<512x128xf32, #tpu.memory_space<vmem>>, %arg5: memref<512x128xf32, #tpu.memory_space<vmem>>, %arg6: memref<128x128xf32, #tpu.memory_space<vmem>>, %arg7: memref<128x128xf32, #tpu.memory_space<vmem>>, %arg8: memref<1x128xf32, #tpu.memory_space<vmem>>, %arg9: memref<512x128xf32, #tpu.memory_space<vmem>>) attributes {dimension_semantics = [#tpu.dimension_semantics<arbitrary>], iteration_bounds = array<i64: 20>, scalar_prefetch = 0 : i64, scratch_operands = 0 : i64, tpu.core_type = #tpu.core_type<tc>, window_params = [{transform_indices = @transform_0, window_bounds = array<i64: 512, 128>}, {transform_indices = @transform_1, window_bounds = array<i64: 512, 128>}, {transform_indices = @transform_2, window_bounds = array<i64: 512, 128>}, {transform_indices = @transform_3, window_bounds = array<i64: 512, 128>}, {transform_indices = @transform_4, window_bounds = array<i64: 512, 128>}, {pipeline_mode = #tpu.pipeline_mode<synchronous>, transform_indices = @transform_5, window_bounds = array<i64: 128, 128>}, {pipeline_mode = #tpu.pipeline_mode<synchronous>, transform_indices = @transform_6, window_bounds = array<i64: 128, 128>}, {pipeline_mode = #tpu.pipeline_mode<synchronous>, transform_indices = @transform_7, window_bounds = array<i64: 1, 128>}, {transform_indices = @transform_8, window_bounds = array<i64: 512, 128>}]} {
    %get3A = arith.constant 0 : index
    %get3A_0 = arith.constant 0 : index
    %get3A_1 = vector.load %arg3[%get3A, %get3A_0] : memref<512x128xf32, #tpu.memory_space<vmem>>, vector<512x1xf32>
    %get3A_2 = arith.constant 0 : index
    %get3A_3 = arith.constant 0 : index
    %get3A_4 = vector.load %arg4[%get3A_2, %get3A_3] : memref<512x128xf32, #tpu.memory_space<vmem>>, vector<512x1xf32>
    %add3A = arith.addf %get3A_1, %get3A_4 : vector<512x1xf32>
    %jit3A = arith.constant 1.000000e+00 : f32
    %max3A = vector.broadcast %jit3A : f32 to vector<512x1xf32>
    %max3A_5 = arith.maximumf %max3A, %add3A : vector<512x1xf32>
    %get3A_6 = arith.constant 0 : index
    %get3A_7 = arith.constant 0 : index
    %get3A_8 = vector.load %arg1[%get3A_6, %get3A_7] : memref<512x128xf32, #tpu.memory_space<vmem>>, vector<512x128xf32>
    %get3A_9 = arith.constant 0 : index
    %get3A_10 = arith.constant 0 : index
    %get3A_11 = vector.load %arg2[%get3A_9, %get3A_10] : memref<512x128xf32, #tpu.memory_space<vmem>>, vector<512x128xf32>
    %add3A_12 = arith.addf %get3A_8, %get3A_11 : vector<512x128xf32>
    %div3A = vector.broadcast %max3A_5 : vector<512x1xf32> to vector<512x128xf32>
    %div3A_13 = arith.divf %add3A_12, %div3A : vector<512x128xf32>
    %get3A_14 = arith.constant 0 : index
    %get3A_15 = arith.constant 0 : index
    %get3A_16 = vector.load %arg6[%get3A_14, %get3A_15] : memref<128x128xf32, #tpu.memory_space<vmem>>, vector<128x128xf32>
    %dot_general3A = arith.constant dense<0.000000e+00> : vector<512x128xf32>
    %dot_general3A_17 = tpu.matmul %div3A_13, %get3A_16, %dot_general3A {dimension_numbers = #tpu.dot_dimension_numbers<[1], [0], [0], [1], [0, 0, 1, 1], [], []>, transpose_lhs_hint = false} : vector<512x128xf32>, vector<128x128xf32>, vector<512x128xf32> -> vector<512x128xf32>
    %get3A_18 = arith.constant 0 : index
    %get3A_19 = arith.constant 0 : index
    %get3A_20 = vector.load %arg5[%get3A_18, %get3A_19] : memref<512x128xf32, #tpu.memory_space<vmem>>, vector<512x128xf32>
    %get3A_21 = arith.constant 0 : index
    %get3A_22 = arith.constant 0 : index
    %get3A_23 = vector.load %arg7[%get3A_21, %get3A_22] : memref<128x128xf32, #tpu.memory_space<vmem>>, vector<128x128xf32>
    %dot_general3A_24 = arith.constant dense<0.000000e+00> : vector<512x128xf32>
    %dot_general3A_25 = tpu.matmul %get3A_20, %get3A_23, %dot_general3A_24 {dimension_numbers = #tpu.dot_dimension_numbers<[1], [0], [0], [1], [0, 0, 1, 1], [], []>, transpose_lhs_hint = false} : vector<512x128xf32>, vector<128x128xf32>, vector<512x128xf32> -> vector<512x128xf32>
    %add3A_26 = arith.addf %dot_general3A_17, %dot_general3A_25 : vector<512x128xf32>
    %get3A_27 = arith.constant 0 : index
    %get3A_28 = arith.constant 0 : index
    %get3A_29 = vector.load %arg8[%get3A_27, %get3A_28] : memref<1x128xf32, #tpu.memory_space<vmem>>, vector<1x128xf32>
    %add3A_30 = vector.broadcast %get3A_29 : vector<1x128xf32> to vector<512x128xf32>
    %add3A_31 = arith.addf %add3A_26, %add3A_30 : vector<512x128xf32>
    %max3A_32 = arith.constant 0.000000e+00 : f32
    %max3A_33 = vector.broadcast %max3A_32 : f32 to vector<512x128xf32>
    %max3A_34 = arith.maximumf %add3A_31, %max3A_33 : vector<512x128xf32>
    %swap3A = arith.constant 0 : index
    %swap3A_35 = arith.constant 0 : index
    %swap3A_36 = vector.load %arg9[%swap3A, %swap3A_35] : memref<512x128xf32, #tpu.memory_space<vmem>>, vector<512x128xf32>
    tpu.vector_store %arg9[%swap3A, %swap3A_35], %max3A_34 {strides = array<i32>} : memref<512x128xf32, #tpu.memory_space<vmem>>, vector<512x128xf32>,
    return
  }
  func.func @transform_0(%arg0: i32) -> (i32, i32) {
    %c0_i32 = arith.constant 0 : i32
    %c0_i32_0 = arith.constant 0 : i32
    return %arg0, %c0_i32 : i32, i32
  }
  func.func @transform_1(%arg0: i32) -> (i32, i32) {
    %c0_i32 = arith.constant 0 : i32
    %c0_i32_0 = arith.constant 0 : i32
    return %arg0, %c0_i32 : i32, i32
  }
  func.func @transform_2(%arg0: i32) -> (i32, i32) {
    %c0_i32 = arith.constant 0 : i32
    %c0_i32_0 = arith.constant 0 : i32
    return %arg0, %c0_i32 : i32, i32
  }
  func.func @transform_3(%arg0: i32) -> (i32, i32) {
    %c0_i32 = arith.constant 0 : i32
    %c0_i32_0 = arith.constant 0 : i32
    return %arg0, %c0_i32 : i32, i32
  }
  func.func @transform_4(%arg0: i32) -> (i32, i32) {
    %c0_i32 = arith.constant 0 : i32
    %c0_i32_0 = arith.constant 0 : i32
    return %arg0, %c0_i32 : i32, i32
  }
  func.func @transform_5(%arg0: i32) -> (i32, i32) {
    %c0_i32 = arith.constant 0 : i32
    %c0_i32_0 = arith.constant 0 : i32
    %c0_i32_1 = arith.constant 0 : i32
    return %c0_i32, %c0_i32_0 : i32, i32
  }
  func.func @transform_6(%arg0: i32) -> (i32, i32) {
    %c0_i32 = arith.constant 0 : i32
    %c0_i32_0 = arith.constant 0 : i32
    %c0_i32_1 = arith.constant 0 : i32
    return %c0_i32, %c0_i32_0 : i32, i32
  }
  func.func @transform_7(%arg0: i32) -> (i32, i32) {
    %c0_i32 = arith.constant 0 : i32
    %c0_i32_0 = arith.constant 0 : i32
    %c0_i32_1 = arith.constant 0 : i32
    return %c0_i32, %c0_i32_0 : i32, i32
  }
  func.func @transform_8(%arg0: i32) -> (i32, i32) {
    %c0_i32 = arith.constant 0 : i32
    %c0_i32_0 = arith.constant 0 : i32
    return %arg0, %c0_i32 : i32, i32
  }
}

module attributes {stable_mosaic.version = 14 : i64} {
  func.func @_tc_edge_body(%arg0: i32, %arg1: memref<512x128xf32, #tpu.memory_space<vmem>>, %arg2: memref<512x128xf32, #tpu.memory_space<vmem>>, %arg3: memref<128x128xf32, #tpu.memory_space<vmem>>, %arg4: memref<128x128xf32, #tpu.memory_space<vmem>>, %arg5: memref<1x128xf32, #tpu.memory_space<vmem>>, %arg6: memref<1x128xf32, #tpu.memory_space<vmem>>, %arg7: memref<1x1xf32, #tpu.memory_space<vmem>>, %arg8: memref<512x1xf32, #tpu.memory_space<vmem>>) attributes {dimension_semantics = [#tpu.dimension_semantics<arbitrary>], iteration_bounds = array<i64: 625>, scalar_prefetch = 0 : i64, scratch_operands = 0 : i64, tpu.core_type = #tpu.core_type<tc>, window_params = [{transform_indices = @transform_0, window_bounds = array<i64: 512, 128>}, {transform_indices = @transform_1, window_bounds = array<i64: 512, 128>}, {pipeline_mode = #tpu.pipeline_mode<synchronous>, transform_indices = @transform_2, window_bounds = array<i64: 128, 128>}, {pipeline_mode = #tpu.pipeline_mode<synchronous>, transform_indices = @transform_3, window_bounds = array<i64: 128, 128>}, {pipeline_mode = #tpu.pipeline_mode<synchronous>, transform_indices = @transform_4, window_bounds = array<i64: 1, 128>}, {pipeline_mode = #tpu.pipeline_mode<synchronous>, transform_indices = @transform_5, window_bounds = array<i64: 1, 128>}, {pipeline_mode = #tpu.pipeline_mode<synchronous>, transform_indices = @transform_6, window_bounds = array<i64: 1, 1>}, {transform_indices = @transform_7, window_bounds = array<i64: 512, 1>}]} {
    %get3A = arith.constant 0 : index
    %get3A_0 = arith.constant 0 : index
    %get3A_1 = vector.load %arg1[%get3A, %get3A_0] : memref<512x128xf32, #tpu.memory_space<vmem>>, vector<512x128xf32>
    %get3A_2 = arith.constant 0 : index
    %get3A_3 = arith.constant 0 : index
    %get3A_4 = vector.load %arg2[%get3A_2, %get3A_3] : memref<512x128xf32, #tpu.memory_space<vmem>>, vector<512x128xf32>
    %mul3A = arith.mulf %get3A_1, %get3A_4 : vector<512x128xf32>
    %get3A_5 = arith.constant 0 : index
    %get3A_6 = arith.constant 0 : index
    %get3A_7 = vector.load %arg3[%get3A_5, %get3A_6] : memref<128x128xf32, #tpu.memory_space<vmem>>, vector<128x128xf32>
    %dot_general3A = arith.constant dense<0.000000e+00> : vector<512x128xf32>
    %dot_general3A_8 = tpu.matmul %mul3A, %get3A_7, %dot_general3A {dimension_numbers = #tpu.dot_dimension_numbers<[1], [0], [0], [1], [0, 0, 1, 1], [], []>, transpose_lhs_hint = false} : vector<512x128xf32>, vector<128x128xf32>, vector<512x128xf32> -> vector<512x128xf32>
    %sub3A = arith.subf %get3A_1, %get3A_4 : vector<512x128xf32>
    %get3A_9 = arith.constant 0 : index
    %get3A_10 = arith.constant 0 : index
    %get3A_11 = vector.load %arg4[%get3A_9, %get3A_10] : memref<128x128xf32, #tpu.memory_space<vmem>>, vector<128x128xf32>
    %dot_general3A_12 = arith.constant dense<0.000000e+00> : vector<512x128xf32>
    %dot_general3A_13 = tpu.matmul %sub3A, %get3A_11, %dot_general3A_12 {dimension_numbers = #tpu.dot_dimension_numbers<[1], [0], [0], [1], [0, 0, 1, 1], [], []>, transpose_lhs_hint = false} : vector<512x128xf32>, vector<128x128xf32>, vector<512x128xf32> -> vector<512x128xf32>
    %add3A = arith.addf %dot_general3A_8, %dot_general3A_13 : vector<512x128xf32>
    %get3A_14 = arith.constant 0 : index
    %get3A_15 = arith.constant 0 : index
    %get3A_16 = vector.load %arg5[%get3A_14, %get3A_15] : memref<1x128xf32, #tpu.memory_space<vmem>>, vector<1x128xf32>
    %add3A_17 = vector.broadcast %get3A_16 : vector<1x128xf32> to vector<512x128xf32>
    %add3A_18 = arith.addf %add3A, %add3A_17 : vector<512x128xf32>
    %max3A = arith.constant 0.000000e+00 : f32
    %max3A_19 = vector.broadcast %max3A : f32 to vector<512x128xf32>
    %max3A_20 = arith.maximumf %add3A_18, %max3A_19 : vector<512x128xf32>
    %get3A_21 = arith.constant 0 : index
    %get3A_22 = arith.constant 0 : index
    %get3A_23 = vector.load %arg6[%get3A_21, %get3A_22] : memref<1x128xf32, #tpu.memory_space<vmem>>, vector<1x128xf32>
    %mul3A_24 = vector.broadcast %get3A_23 : vector<1x128xf32> to vector<512x128xf32>
    %mul3A_25 = arith.mulf %max3A_20, %mul3A_24 : vector<512x128xf32>
    %reduce_sum3A = arith.constant dense<0.000000e+00> : vector<512xf32>
    %reduce_sum3A_26 = vector.multi_reduction <add>, %mul3A_25, %reduce_sum3A [1] : vector<512x128xf32> to vector<512xf32>
    %broadcast_in_dim3A = vector.shape_cast %reduce_sum3A_26 : vector<512xf32> to vector<512x1xf32>
    %get3A_27 = arith.constant 0 : index
    %get3A_28 = arith.constant 0 : index
    %get3A_29 = vector.load %arg7[%get3A_27, %get3A_28] : memref<1x1xf32, #tpu.memory_space<vmem>>, vector<1x1xf32>
    %add3A_30 = vector.broadcast %get3A_29 : vector<1x1xf32> to vector<512x1xf32>
    %add3A_31 = arith.addf %broadcast_in_dim3A, %add3A_30 : vector<512x1xf32>
    %logistic3A = arith.negf %add3A_31 : vector<512x1xf32>
    %logistic3A_32 = math.exp %logistic3A : vector<512x1xf32>
    %logistic3A_33 = arith.constant 1.000000e+00 : f32
    %logistic3A_34 = vector.broadcast %logistic3A_33 : f32 to vector<512x1xf32>
    %logistic3A_35 = arith.addf %logistic3A_34, %logistic3A_32 : vector<512x1xf32>
    %logistic3A_36 = arith.divf %logistic3A_34, %logistic3A_35 : vector<512x1xf32>
    %swap3A = arith.constant 0 : index
    %swap3A_37 = arith.constant 0 : index
    %swap3A_38 = vector.load %arg8[%swap3A, %swap3A_37] : memref<512x1xf32, #tpu.memory_space<vmem>>, vector<512x1xf32>
    tpu.vector_store %arg8[%swap3A, %swap3A_37], %logistic3A_36 {strides = array<i32>} : memref<512x1xf32, #tpu.memory_space<vmem>>, vector<512x1xf32>,
    return
  }
  func.func @transform_0(%arg0: i32) -> (i32, i32) {
    %c0_i32 = arith.constant 0 : i32
    %c0_i32_0 = arith.constant 0 : i32
    return %arg0, %c0_i32 : i32, i32
  }
  func.func @transform_1(%arg0: i32) -> (i32, i32) {
    %c0_i32 = arith.constant 0 : i32
    %c0_i32_0 = arith.constant 0 : i32
    return %arg0, %c0_i32 : i32, i32
  }
  func.func @transform_2(%arg0: i32) -> (i32, i32) {
    %c0_i32 = arith.constant 0 : i32
    %c0_i32_0 = arith.constant 0 : i32
    %c0_i32_1 = arith.constant 0 : i32
    return %c0_i32, %c0_i32_0 : i32, i32
  }
  func.func @transform_3(%arg0: i32) -> (i32, i32) {
    %c0_i32 = arith.constant 0 : i32
    %c0_i32_0 = arith.constant 0 : i32
    %c0_i32_1 = arith.constant 0 : i32
    return %c0_i32, %c0_i32_0 : i32, i32
  }
  func.func @transform_4(%arg0: i32) -> (i32, i32) {
    %c0_i32 = arith.constant 0 : i32
    %c0_i32_0 = arith.constant 0 : i32
    %c0_i32_1 = arith.constant 0 : i32
    return %c0_i32, %c0_i32_0 : i32, i32
  }
  func.func @transform_5(%arg0: i32) -> (i32, i32) {
    %c0_i32 = arith.constant 0 : i32
    %c0_i32_0 = arith.constant 0 : i32
    %c0_i32_1 = arith.constant 0 : i32
    return %c0_i32, %c0_i32_0 : i32, i32
  }
  func.func @transform_6(%arg0: i32) -> (i32, i32) {
    %c0_i32 = arith.constant 0 : i32
    %c0_i32_0 = arith.constant 0 : i32
    %c0_i32_1 = arith.constant 0 : i32
    return %c0_i32, %c0_i32_0 : i32, i32
  }
  func.func @transform_7(%arg0: i32) -> (i32, i32) {
    %c0_i32 = arith.constant 0 : i32
    %c0_i32_0 = arith.constant 0 : i32
    return %arg0, %c0_i32 : i32, i32
  }
}

</mosaic_0001>

<sc_bundles>
// kernel: kernel.10.cloned.1.call-start
scs
__scs_entry_jumppad:
0x0: {  	(pc) =	sbr.rel $0x88, $3  }
0x1: {  	(tag) =	ssettag $0x0;
	lr =	simm.s32 $0x1  }
0x2: {  	[smem:$0x3F98] =	sst lr;
	_ =	strace $0xD0000000  }
0x3: {  	_ = 	snop  }
0x4: {  	_ = 	snop  }
0x5: {  	_ = 	snop  }
0x6: {  	_ = 	snop  }
0x7: {  	_ = 	snop  }
__scs_overlays_trampoline_lowered:
0x8: {  	[smem:$0x3FA7] =	sst s0  }
0x9: {  	[smem:$0x3FA8] =	sst s1  }
0xa: {  	[smem:$0x3FA9] =	sst s2  }
0xb: {  	[smem:$0x3FAA] =	sst s3  }
0xc: {  	[smem:$0x3FAB] =	sst s4  }
0xd: {  	[smem:$0x3FAC] =	sst s5  }
0xe: {  	[smem:$0x3FAD] =	sst s6  }
0xf: {  	[smem:$0x3FAE] =	sst s7  }
0x10: {  	[smem:$0x3FAF] =	sst s8  }
0x11: {  	[smem:$0x3FB0] =	sst s9;
	s0 =	simm.s32 @!p0 $0x0  }
0x12: {  	s1 =	sld [smem:$0x3F96];
	s0 =	simm.s32 @p0 $0x1  }
0x13: {  	[smem:$0x3FB1] =	sst s0;
	s0 =	simm.s32 @!p1 $0x0  }
0x14: {  	s2 =	sld [smem:$0x3F95];
	s0 =	simm.s32 @p1 $0x1  }
0x15: {  	[smem:$0x3FB2] =	sst s0;
	s0 =	simm.s32 @!p2 $0x0  }
0x16: {  	s3 =	sld [smem:$0x3FDB];
	s0 =	simm.s32 @p2 $0x1  }
0x17: {  	s4 =	simm.s32 $0x1BF5;
	[smem:$0x3FB4] =	sst s0  }
0x18: {  	s0 =	sld [smem:$0x3F97];
	_ =	swait.ge [sflag:s4], $0x0  }
0x19: {  	s7 =	sld [smem:$0x3F98]  }
0x1a: {  	s8 =	sadd.s32 $0xFFFFE003, lr  }
0x1b: {  	s9 =	sadd.s32 $0xFFFFFEF7, lr;
	s5 =	simm.s32 $0xFFFFFFFF;
	p2 =	slt.u32 s8, $0xFFFFF086  }
0x1c: {  	p1 =	slt.u32 s9, $0xF7A;
	s5 =	simm.s32 @!p2 $0x0  }
0x1d: {  	s5 =	simm.s32 @p1 $0x1;
	p0 =	seq.s32 s7, s2  }
0x1e: {  	s7 =	smul.u32 @!p0 $0xF7A, s2;
	p2 =	seq.s32 @!p0 s5, $0x0  }
0x1f: {  	s9 =	smul.u32 $0xF7A, s1;
	s8 =	simm.s32 @!p0 $0x1BF5;
	p2 =	por !p2, p0  }
0x20: {  	[sflag:s8] =	ssyncset.s32 @!p0 $0xFFFFF086;
	s6 =	sadd.s32 @!p0 s3, s7;
	s7 =	simm.s32 @!p0 $0x108  }
0x21: {  	s3 =	sadd.s32 s3, s9;
	s6 =	sadd.s32 @!p0 $0x88, s6;
	s7 =	simm.s32 @p2 $0x1082  }
0x22: {  	[simem:s7], [sflag:s8] =	dma.local @!p0 [hbm:s6], $0xF7A  }
0x23: {  	s9 =	sor.u32 $0xD0000000, s2;
	s6 =	simm.s32 $0x108;
	_ =	swait.ge @!p0 [sflag:s8], $0x0  }
0x24: {  	s3 =	sadd.s32 $0x88, s3;
	s6 =	simm.s32 @!p1 $0x1082;
	[sflag:s4] =	ssyncset.s32 $0xFFFFF086  }
0x25: {  	[simem:s6], [sflag:s4] =	dma.local [hbm:s3], $0xF7A  }
0x26: {  	[smem:$0x3F98] =	sst s1;
	(tag) =	ssettag s2;
	_ =	strace s9  }
0x27: {  	s1 =	sld [smem:$0x3FA8]  }
0x28: {  	s2 =	sld [smem:$0x3FA9]  }
0x29: {  	s4 =	sld [smem:$0x3FAB]  }
0x2a: {  	p0 =	seq.s32 s5, $0x0;
	s5 =	sld [smem:$0x3FAC]  }
0x2b: {  	s6 =	sld [smem:$0x3FAD]  }
0x2c: {  	s7 =	sld [smem:$0x3FAE]  }
0x2d: {  	s3 =	simm.s32 $0x108;
	s8 =	sld [smem:$0x3FAF]  }
0x2e: {  	s3 =	simm.s32 @!p0 $0x1082;
	s9 =	sld [smem:$0x3FB0]  }
0x2f: {  	lr =	sadd.s32 s0, s3;
	s0 =	sld [smem:$0x3FA7]  }
0x30: {  	s3 =	sld [smem:$0x3FAA]  }
0x31: {  	[smem:$0x3FB3] =	sst s10  }
0x32: {  	s10 =	sld [smem:$0x3FB1];
	_ =	sdelay $0x3  }
0x33: {  	p0 =	seq.s32 s10, $0x1;
	s10 =	sld [smem:$0x3FB3];
	_ =	sdelay $0x3  }
0x34: {  	[smem:$0x3FB3] =	sst s10  }
0x35: {  	s10 =	sld [smem:$0x3FB2];
	_ =	sdelay $0x3  }
0x36: {  	p1 =	seq.s32 s10, $0x1;
	s10 =	sld [smem:$0x3FB3];
	_ =	sdelay $0x3  }
0x37: {  	[smem:$0x3FB3] =	sst s10  }
0x38: {  	s10 =	sld [smem:$0x3FB4]  }
0x39: {  	_ = 	snop;
	(pc) =	sbr.ind lr, $3  }
0x3a: {  	_ = 	snop  }
0x3b: {  	_ = 	snop  }
0x3c: {  	p2 =	seq.s32 s10, $0x1;
	s10 =	sld [smem:$0x3FB3]  }
0x3d: {  	_ =	shalt  }
0x3e: {  	_ =	shalt  }
0x3f: {  	_ =	shalt  }
0x40: {  	_ =	shalt  }
0x41: {  	_ =	shalt  }
0x42: {  	_ =	shalt  }
0x43: {  	_ =	shalt  }
0x44: {  	_ =	shalt  }
0x45: {  	_ =	shalt  }
0x46: {  	_ =	shalt  }
0x47: {  	_ =	shalt  }
0x48: {  	_ =	shalt  }
0x49: {  	_ =	shalt  }
0x4a: {  	_ =	shalt  }
0x4b: {  	_ =	shalt  }
0x4c: {  	_ =	shalt  }
0x4d: {  	_ =	shalt  }
0x4e: {  	_ =	shalt  }
0x4f: {  	_ =	shalt  }
0x50: {  	_ =	shalt  }
0x51: {  	_ =	shalt  }
0x52: {  	_ =	shalt  }
0x53: {  	_ =	shalt  }
0x54: {  	_ =	shalt  }
0x55: {  	_ =	shalt  }
0x56: {  	_ =	shalt  }
0x57: {  	_ =	shalt  }
0x58: {  	_ =	shalt  }
0x59: {  	_ =	shalt  }
0x5a: {  	_ =	shalt  }
0x5b: {  	_ =	shalt  }
0x5c: {  	_ =	shalt  }
0x5d: {  	_ =	shalt  }
0x5e: {  	_ =	shalt  }
0x5f: {  	_ =	shalt  }
0x60: {  	_ =	shalt  }
0x61: {  	_ =	shalt  }
0x62: {  	_ =	shalt  }
0x63: {  	_ =	shalt  }
0x64: {  	_ =	shalt  }
0x65: {  	_ =	shalt  }
0x66: {  	_ =	shalt  }
0x67: {  	_ =	shalt  }
0x68: {  	_ =	shalt  }
0x69: {  	_ =	shalt  }
0x6a: {  	_ =	shalt  }
0x6b: {  	_ =	shalt  }
0x6c: {  	_ =	shalt  }
0x6d: {  	_ =	shalt  }
0x6e: {  	_ =	shalt  }
0x6f: {  	_ =	shalt  }
0x70: {  	_ =	shalt  }
0x71: {  	_ =	shalt  }
0x72: {  	_ =	shalt  }
0x73: {  	_ =	shalt  }
0x74: {  	_ =	shalt  }
0x75: {  	_ =	shalt  }
0x76: {  	_ =	shalt  }
0x77: {  	_ =	shalt  }
0x78: {  	_ =	shalt  }
0x79: {  	_ =	shalt  }
0x7a: {  	_ =	shalt  }
0x7b: {  	_ =	shalt  }
0x7c: {  	_ =	shalt  }
0x7d: {  	_ =	shalt  }
0x7e: {  	_ =	shalt  }
0x7f: {  	_ =	shalt  }
0x80: {  	_ =	shalt  }
0x81: {  	_ =	shalt  }
0x82: {  	_ =	shalt  }
0x83: {  	_ =	shalt  }
0x84: {  	_ =	shalt  }
0x85: {  	_ =	shalt  }
0x86: {  	_ =	shalt  }
0x87: {  	_ =	shalt  }
.Lfunc_end0:
.L_simem_size_0:
called_computation.1_lowered:
.L_overlay_start_0:
0x88: {  	s2 =	sld [smem:$0x3FD9]  }
0x89: {  	s3 =	sld [smem:$0x3FFE];
	_ =	sdelay $0x1  }
0x8a: {  	s1 =	srdreg.scid  }
0x8b: {  	s0 =	sand.u32 $0x1, s1  }
0x8c: {  	s17 =	sshll.u32 s0, $0xA;
	s2 =	sadd.s32 s3, s2  }
0x8d: {  	s2 =	sadd.s32 s2, s17  }
0x8e: {  	[smem:$0x3FBF] =	sst s2  }
0x8f: {  	_ = 	snop  }
0x90: {  	s18 =	sld [smem:$0x3FD0];
	(tm) =	ssettm $0x1  }
0x91: {  	s19 =	sld [smem:$0x3FFB];
	_ =	sdelay $0x3  }
0x92: {  	_ =	strace s19  }
0x93: {  	s2 =	sld [smem:$0x3FFC];
	_ =	sdelay $0x3  }
0x94: {  	_ =	strace s2  }
0x95: {  	s2 =	sld [smem:$0x3FFD];
	_ =	sdelay $0x3  }
0x96: {  	_ =	strace s2  }
0x97: {  	_ =	strace $0x8FFFFFFF  }
0x98: {  	s20 =	sld [smem:$0x3FDB];
	_ =	sdelay $0x1  }
0x99: {  	s4 =	simm.s32 $_scs_section_size  }
0x9a: {  	s5 =	simm.s32 $_size__tile_overlayer_lowered;
	s6 =	simm.s32 $_tile_overlayer_lowered  }
0x9b: {  	s7 =	simm.s32 $0x1BFF;
	s21 =	sshll.u32 s6, $0x1;
	s4 =	sadd.s32 s4, s20  }
0x9c: {  	s22 =	simm.s32 $0x0;
	s5 =	sshll.u32 s5, $0x1;
	s6 =	sadd.s32 s21, s4  }
0x9d: {  	[timem:s22], [sflag:s7] =	dma.local [hbm:s6], s5  }
0x9e: {  	_ =	swait.ge [sflag:s7], s5  }
0x9f: {  	s5 =	ssub.s32 $0x0, s5;
	[sflag:s7] =	ssyncset.done $0x0  }
0xa0: {  	[sflag:s7] =	ssyncadd.s32 s5;
	_ =	sdelay $0x1  }
0xa1: {  	s23 =	simm.s32 $0x1B8B  }
0xa2: {  	_ =	swait.ge [sflag:s23], $0x1  }
0xa3: {  	[sflag:s23] =	ssyncset.done $0x0  }
0xa4: {  	[sflag:s23] =	ssyncadd.s32 $0xFFFFFFFF  }
0xa5: {  	s5 =	sld [smem:$0x0]  }
0xa6: {  	s6 =	sand.u32 $0xFFFFFFFE, s1  }
0xa7: {  	p0 =	sne.s32 s1, s6  }
0xa8: {  	s6 =	sshll.u32 @p0 s6, $0xE  }
0xa9: {  	s6 =	sadd.s32 @p0 $0x11B8D, s6;
	s7 =	sshll.u32 @p0 s5, $0x11  }
0xaa: {  	s6 =	sor.u32 @p0 s7, s6  }
0xab: {  	[sflag:s6] =	ssyncadd.remote.s32 @p0 $0x1;
	_ =	sdelay $0x1  }
0xac: {  	s6 =	simm.s32 @p0 $0x1B8D  }
0xad: {  	_ =	swait.eq @p0 [sflag:s6], $0x1  }
0xae: {  	[sflag:s6] =	ssyncadd.s32 @p0 $0xFFFFFFFF  }
0xaf: {  	s7 =	sshll.u32 @!p0 s1, $0xE  }
0xb0: {  	s7 =	sor.u32 @!p0 $0x4000, s7;
	s6 =	simm.s32 @!p0 $0x1B8D  }
0xb1: {  	s5 =	sshll.u32 @!p0 s5, $0x11;
	s7 =	sadd.s32 @!p0 $0x11B8D, s7;
	_ =	swait.eq @!p0 [sflag:s6], $0x1  }
0xb2: {  	s5 =	sor.u32 @!p0 s5, s7;
	[sflag:s6] =	ssyncadd.s32 @!p0 $0xFFFFFFFF  }
0xb3: {  	s25 =	simm.s32 $0x1B8E;
	s24 =	sld [smem:$0x3FFE];
	[sflag:s5] =	ssyncadd.remote.s32 @!p0 $0x1  }
0xb4: {  	s26 =	simm.s32 $execute0_lowered;
	[smem:$0x3FD2] =	sst s25  }
0xb5: {  	s6 =	sshll.u32 s26, $0x1;
	_ =	strace $0x80000049;
	[dreg:$0x1] =	wrdreg $0xFFFFFFFF  }
0xb6: {  	s28 =	simm.s32 $_size_execute0_lowered;
	s4 =	sadd.s32 s4, s6;
	[dreg:$0x0] =	wrdreg $0x0  }
0xb7: {  	s6 =	sshll.u32 s28, $0x1;
	[dreg:$0x2] =	wrdreg s4  }
0xb8: {  	[dreg:$0x3] =	wrdreg s6  }
0xb9: {  	[dreg:$0x4] =	wrdreg $0xC0  }
0xba: {  	_ =	task [dreg:s22], $0x5FFFF  }
0xbb: {  	[dreg:$0x1] =	wrdreg $0xFFFFFFFF  }
0xbc: {  	[dreg:$0x0] =	wrdreg $0x60  }
0xbd: {  	[dreg:$0x2] =	wrdreg s24  }
0xbe: {  	[dreg:$0x3] =	wrdreg s18  }
0xbf: {  	[dreg:$0x4] =	wrdreg $0x68000  }
0xc0: {  	[dreg:$0x5] =	wrdreg $0xA  }
0xc1: {  	_ =	task.clear_ibuf [dreg:s22], $0x6FFFF;
	_ =	strace $0x90000049  }
0xc2: {  	s29 =	simm.s32 $0xA;
	_ =	strace $0x8000004B  }
0xc3: {  	_ =	swait.ge [sflag:s29], $0x1  }
0xc4: {  	[sflag:s29] =	ssyncadd.s32 $0xFFFFFFFF  }
0xc5: {  	_ =	strace $0x9000004B  }
0xc6: {  	_ =	sfence  }
0xc7: {  	s30 =	sld [smem:$0x0];
	_ =	sdelay $0x2  }
0xc8: {  	s31 =	sshll.u32 s1, $0xD;
	s1 =	sshrl.u32 s1, $0x2  }
0xc9: {  	s4 =	sand.u32 $0x4000, s31;
	s1 =	sadd.s32 s1, s30  }
0xca: {  	s0 =	sor.u32 s4, s0;
	s1 =	sshll.u32 s1, $0x11  }
0xcb: {  	s0 =	sor.u32 s1, s0  }
0xcc: {  	s0 =	sadd.s32 $0x8F2B, s0  }
0xcd: {  	[sflag:s0] =	ssyncadd.remote.s32 $0x1  }
0xce: {  	_ =	sfence.sel $0xFFFF  }
0xcf: {  	[dreg:$0x0] =	wrdreg $0xFFFFFFFF;
	(pc) =	sbr.abs _section_cstart, $3  }
0xd0: {  	[dreg:$0x1] =	wrdreg $0xFFFFFFFF  }
0xd1: {  	_ =	task.clear_ibuf [dreg:s22], $0x2FFFF;
	_ =	strace $0x9FFFFFFF  }
0xd2: {  	(tm) =	ssettm $0x7FFFFFFF  }
0xd3: {  	_ =	shalt  }
tec
execute0_lowered:
.L_overlay_start_1:
0x0: {  	(tag) =	ssettag $0x1  }
0x1: {  	s7 =	rddreg [dreg:$0x0]  }
0x2: {  	s0 =	srdreg.scid;
	s2 =	rddreg [dreg:$0x1]  }
0x3: {  	s3 =	rddreg [dreg:$0x2];
	s4 =	simm.s32 $0x0;
	s6 =	sand.u32 $0x1, s0  }
0x4: {  	s13 =	simm.s32 $0x80;
	s0 =	stileid.u32;
	s8 =	smul.u32 $0x140000, s6  }
0x5: {  	s14 =	simm.s32 $0x0;
	[smem:$0x7FF] =	sst s4;
	s9 =	smul.u32 $0x14000, s0  }
0x6: {  	s1 =	sshll.u32 s6, $0x4;
	s30 =	smul.u32 $0x50000, s0;
	s6 =	ssub.s32 $0x2, s6  }
0x7: {  	s11 =	sshll.u32 s0, $0x6;
	s1 =	sor.u32 s0, s1;
	s31 =	sshrl.u32 s6, $0x1  }
0x8: {  	s11 =	sor.u32 $0x1C01, s11;
	s5 =	smul.u32 $0x500, s1;
	s1 =	rddreg [dreg:$0x3]  }
0x9: {  	_ =	strace $0x8000004A;
	s8 =	sadd.s32 s9, s8;
	s9 =	sshrl.u32 s30, $0x2  }
0xa: {  	s8 =	sshrl.u32 s8, $0x3;
	s12 =	sadd.s32 s9, s3;
	s9 =	simm.s32 $0x1  }
0xb: {  	s10 =	sadd.s32 s5, s7;
	s5 =	sadd.s32 $0x66200, s7;
	s7 =	sadd.s32 s8, s7  }
0xc: {  	s8 =	ssub.s32 s6, s31;
	s12 =	sshrl.u32 s12, $0x3;
	s6 =	sadd.s32 $0x2200, s10  }
0xd: {  	s7 =	sadd.s32 $0x66A00, s7;
	s8 =	smax.u32 s8, $0x1;
	s10 =	simm.s32 $0x2800  }
.LBB2_1:
0xe: {  	[tilespmem:s4], [sflag:$0x1] =	stream.linear.gather [hbm4b:s6+s4], $0x2780, $0x38;
	[tilespmem:$0x1A800] =	vst v63  }
0xf: {  	_ =	swait.ge [sflag:s9], $0x2780  }
0x10: {  	[sflag:s9] =	ssyncset.done $0x0  }
0x11: {  	[sflag:s9] =	ssyncadd.s32 $0xFFFFD880  }
0x12: {  	[tilespmem:s10], [sflag:$0x1] =	stream.linear.gather [hbm4b:s5+s4], $0x4000, $0x38;
	[tilespmem:$0x1A800] =	vst v63  }
0x13: {  	_ =	swait.ge [sflag:s9], $0x4000  }
0x14: {  	[sflag:s9] =	ssyncset.done $0x0  }
0x15: {  	[sflag:s9] =	ssyncadd.s32 $0xFFFFC000  }
0x16: {  	[spmem:s12], [sflag:s11] =	dma.local [hbm:s2], $0x2800  }
0x17: {  	_ =	swait.ge [sflag:s9], $0x2800  }
0x18: {  	[sflag:s9] =	ssyncset.done $0x0  }
0x19: {  	[sflag:s9] =	ssyncadd.s32 $0xFFFFD800  }
0x1a: {  	s15 =	simm.s32 $0x0;
	[bflag:$0x0] =	sbarrier.arrive $0xFFFF  }
0x1b: {  	[spmem:s3] =	stream.indirect.scatter.add.f32 [tilespmem:s10], [sflag:$0x1], $0x80, s15, s13, $0xb8;
	[tilespmem:$0x1A800] =	vst v63  }
0x1c: {  	_ =	swait.ge [sflag:s9], $0x4000  }
0x1d: {  	s15 =	simm.s32 $0x200;
	[sflag:s9] =	ssyncset.done $0x0  }
.LBB2_2:
0x1e: {  	s16 =	sshra.s32 s15, $0x2;
	[sflag:s9] =	ssyncadd.s32 $0xFFFFC000;
	p0 =	sne.s32 s15, $0x9C00  }
0x1f: {  	[spmem:s3] =	stream.indirect.scatter.add.f32 [tilespmem:s10], [sflag:$0x1], $0x80, s16, s13, $0xb8;
	[tilespmem:$0x1A800] =	vst v63  }
.Ltmp0:
0x20: {  	_ = 	snop;
	(pc) =	sbr.rel @p0 .LBB2_2-.Ltmp0, $4  }
0x21: {  	_ = 	snop  }
0x22: {  	s15 =	sadd.s32 $0x200, s15  }
0x23: {  	_ =	swait.ge [sflag:s9], $0x4000  }
0x24: {  	[sflag:s9] =	ssyncset.done $0x0  }
0x25: {  	s14 =	sadd.s32 $0x1, s14  }
0x26: {  	[sflag:s9] =	ssyncadd.s32 $0xFFFFC000;
	p0 =	sne.s32 s14, s8  }
.Ltmp1:
0x27: {  	[bflag:$0x0] =	sbarrier.arrive $0xFFFF;
	(pc) =	sbr.rel @p0 .LBB2_1-.Ltmp1, $4  }
0x28: {  	[hbm:s7], [sflag:s11] =	dma.local [spmem:s12], $0x2800  }
0x29: {  	_ =	swait.ge [sflag:s9], $0x2800  }
0x2a: {  	[sflag:s9] =	ssyncset.done $0x0  }
0x2b: {  	[sflag:s9] =	ssyncadd.s32 $0xFFFFD800  }
0x2c: {  	_ =	sfence.sel $0x180000  }
0x2d: {  	[bflag:$0x0] =	sbarrier.arrive $0xFFFF  }
0x2e: {  	p0 =	sne.s32 s0, $0x0;
	_ =	strace $0x9000004A  }
0x2f: {  	s0 =	sadd.s32 @!p0 $0x100000, s1;
	[bflag:$0x2] =	sbarrier.arrive $0xFFFF  }
0x30: {  	[sflag:s0] =	ssyncadd.tile.s32 @!p0 $0x1;
	_ =	shalt  }
.Lfunc_end2:
_tile_overlayer_lowered:
.L_overlay_start_2:
0x31: {  	(tag) =	ssettag $0x2  }
0x32: {  	s0 =	rddreg [dreg:$0x0];
	s2 =	stileid.u32  }
0x33: {  	s1 =	rddreg [dreg:$0x1];
	p0 =	sne.s32 s2, $0x0  }
0x34: {  	s3 =	rddreg [dreg:$0x2];
	[bflag:$0x3] =	sbarrier.arrive $0xFFFF;
	s2 =	simm.s32 @!p0 $0x1C01  }
0x35: {  	[timem:s3], [sflag:s2] =	dma.local @!p0 [hbm:s0], s1  }
0x36: {  	s0 =	simm.s32 @!p0 $0x1  }
0x37: {  	_ =	swait.ge @!p0 [sflag:s0], s1  }
0x38: {  	s1 =	ssub.s32 @!p0 $0x0, s1;
	[sflag:s0] =	ssyncset.done @!p0 $0x0  }
0x39: {  	[sflag:s0] =	ssyncadd.s32 @!p0 s1  }
0x3a: {  	[bflag:$0x3] =	sbarrier.arrive $0xFFFF  }
0x3b: {  	_ =	shalt  }

// kernel: kernel.13.cloned.1.call-start
scs
__scs_entry_jumppad:
0x0: {  	(pc) =	sbr.rel $0x88, $3  }
0x1: {  	(tag) =	ssettag $0x0;
	lr =	simm.s32 $0x1  }
0x2: {  	[smem:$0x3F98] =	sst lr;
	_ =	strace $0xD0000000  }
0x3: {  	_ = 	snop  }
0x4: {  	_ = 	snop  }
0x5: {  	_ = 	snop  }
0x6: {  	_ = 	snop  }
0x7: {  	_ = 	snop  }
__scs_overlays_trampoline_lowered:
0x8: {  	[smem:$0x3FA7] =	sst s0  }
0x9: {  	[smem:$0x3FA8] =	sst s1  }
0xa: {  	[smem:$0x3FA9] =	sst s2  }
0xb: {  	[smem:$0x3FAA] =	sst s3  }
0xc: {  	[smem:$0x3FAB] =	sst s4  }
0xd: {  	[smem:$0x3FAC] =	sst s5  }
0xe: {  	[smem:$0x3FAD] =	sst s6  }
0xf: {  	[smem:$0x3FAE] =	sst s7  }
0x10: {  	[smem:$0x3FAF] =	sst s8  }
0x11: {  	[smem:$0x3FB0] =	sst s9;
	s0 =	simm.s32 @!p0 $0x0  }
0x12: {  	s1 =	sld [smem:$0x3F96];
	s0 =	simm.s32 @p0 $0x1  }
0x13: {  	[smem:$0x3FB1] =	sst s0;
	s0 =	simm.s32 @!p1 $0x0  }
0x14: {  	s2 =	sld [smem:$0x3F95];
	s0 =	simm.s32 @p1 $0x1  }
0x15: {  	[smem:$0x3FB2] =	sst s0;
	s0 =	simm.s32 @!p2 $0x0  }
0x16: {  	s3 =	sld [smem:$0x3FDB];
	s0 =	simm.s32 @p2 $0x1  }
0x17: {  	s4 =	simm.s32 $0x1BF5;
	[smem:$0x3FB4] =	sst s0  }
0x18: {  	s0 =	sld [smem:$0x3F97];
	_ =	swait.ge [sflag:s4], $0x0  }
0x19: {  	s7 =	sld [smem:$0x3F98]  }
0x1a: {  	s8 =	sadd.s32 $0xFFFFE003, lr  }
0x1b: {  	s9 =	sadd.s32 $0xFFFFFEF7, lr;
	s5 =	simm.s32 $0xFFFFFFFF;
	p2 =	slt.u32 s8, $0xFFFFF086  }
0x1c: {  	p1 =	slt.u32 s9, $0xF7A;
	s5 =	simm.s32 @!p2 $0x0  }
0x1d: {  	s5 =	simm.s32 @p1 $0x1;
	p0 =	seq.s32 s7, s2  }
0x1e: {  	s7 =	smul.u32 @!p0 $0xF7A, s2;
	p2 =	seq.s32 @!p0 s5, $0x0  }
0x1f: {  	s9 =	smul.u32 $0xF7A, s1;
	s8 =	simm.s32 @!p0 $0x1BF5;
	p2 =	por !p2, p0  }
0x20: {  	[sflag:s8] =	ssyncset.s32 @!p0 $0xFFFFF086;
	s6 =	sadd.s32 @!p0 s3, s7;
	s7 =	simm.s32 @!p0 $0x108  }
0x21: {  	s3 =	sadd.s32 s3, s9;
	s6 =	sadd.s32 @!p0 $0x88, s6;
	s7 =	simm.s32 @p2 $0x1082  }
0x22: {  	[simem:s7], [sflag:s8] =	dma.local @!p0 [hbm:s6], $0xF7A  }
0x23: {  	s9 =	sor.u32 $0xD0000000, s2;
	s6 =	simm.s32 $0x108;
	_ =	swait.ge @!p0 [sflag:s8], $0x0  }
0x24: {  	s3 =	sadd.s32 $0x88, s3;
	s6 =	simm.s32 @!p1 $0x1082;
	[sflag:s4] =	ssyncset.s32 $0xFFFFF086  }
0x25: {  	[simem:s6], [sflag:s4] =	dma.local [hbm:s3], $0xF7A  }
0x26: {  	[smem:$0x3F98] =	sst s1;
	(tag) =	ssettag s2;
	_ =	strace s9  }
0x27: {  	s1 =	sld [smem:$0x3FA8]  }
0x28: {  	s2 =	sld [smem:$0x3FA9]  }
0x29: {  	s4 =	sld [smem:$0x3FAB]  }
0x2a: {  	p0 =	seq.s32 s5, $0x0;
	s5 =	sld [smem:$0x3FAC]  }
0x2b: {  	s6 =	sld [smem:$0x3FAD]  }
0x2c: {  	s7 =	sld [smem:$0x3FAE]  }
0x2d: {  	s3 =	simm.s32 $0x108;
	s8 =	sld [smem:$0x3FAF]  }
0x2e: {  	s3 =	simm.s32 @!p0 $0x1082;
	s9 =	sld [smem:$0x3FB0]  }
0x2f: {  	lr =	sadd.s32 s0, s3;
	s0 =	sld [smem:$0x3FA7]  }
0x30: {  	s3 =	sld [smem:$0x3FAA]  }
0x31: {  	[smem:$0x3FB3] =	sst s10  }
0x32: {  	s10 =	sld [smem:$0x3FB1];
	_ =	sdelay $0x3  }
0x33: {  	p0 =	seq.s32 s10, $0x1;
	s10 =	sld [smem:$0x3FB3];
	_ =	sdelay $0x3  }
0x34: {  	[smem:$0x3FB3] =	sst s10  }
0x35: {  	s10 =	sld [smem:$0x3FB2];
	_ =	sdelay $0x3  }
0x36: {  	p1 =	seq.s32 s10, $0x1;
	s10 =	sld [smem:$0x3FB3];
	_ =	sdelay $0x3  }
0x37: {  	[smem:$0x3FB3] =	sst s10  }
0x38: {  	s10 =	sld [smem:$0x3FB4]  }
0x39: {  	_ = 	snop;
	(pc) =	sbr.ind lr, $3  }
0x3a: {  	_ = 	snop  }
0x3b: {  	_ = 	snop  }
0x3c: {  	p2 =	seq.s32 s10, $0x1;
	s10 =	sld [smem:$0x3FB3]  }
0x3d: {  	_ =	shalt  }
0x3e: {  	_ =	shalt  }
0x3f: {  	_ =	shalt  }
0x40: {  	_ =	shalt  }
0x41: {  	_ =	shalt  }
0x42: {  	_ =	shalt  }
0x43: {  	_ =	shalt  }
0x44: {  	_ =	shalt  }
0x45: {  	_ =	shalt  }
0x46: {  	_ =	shalt  }
0x47: {  	_ =	shalt  }
0x48: {  	_ =	shalt  }
0x49: {  	_ =	shalt  }
0x4a: {  	_ =	shalt  }
0x4b: {  	_ =	shalt  }
0x4c: {  	_ =	shalt  }
0x4d: {  	_ =	shalt  }
0x4e: {  	_ =	shalt  }
0x4f: {  	_ =	shalt  }
0x50: {  	_ =	shalt  }
0x51: {  	_ =	shalt  }
0x52: {  	_ =	shalt  }
0x53: {  	_ =	shalt  }
0x54: {  	_ =	shalt  }
0x55: {  	_ =	shalt  }
0x56: {  	_ =	shalt  }
0x57: {  	_ =	shalt  }
0x58: {  	_ =	shalt  }
0x59: {  	_ =	shalt  }
0x5a: {  	_ =	shalt  }
0x5b: {  	_ =	shalt  }
0x5c: {  	_ =	shalt  }
0x5d: {  	_ =	shalt  }
0x5e: {  	_ =	shalt  }
0x5f: {  	_ =	shalt  }
0x60: {  	_ =	shalt  }
0x61: {  	_ =	shalt  }
0x62: {  	_ =	shalt  }
0x63: {  	_ =	shalt  }
0x64: {  	_ =	shalt  }
0x65: {  	_ =	shalt  }
0x66: {  	_ =	shalt  }
0x67: {  	_ =	shalt  }
0x68: {  	_ =	shalt  }
0x69: {  	_ =	shalt  }
0x6a: {  	_ =	shalt  }
0x6b: {  	_ =	shalt  }
0x6c: {  	_ =	shalt  }
0x6d: {  	_ =	shalt  }
0x6e: {  	_ =	shalt  }
0x6f: {  	_ =	shalt  }
0x70: {  	_ =	shalt  }
0x71: {  	_ =	shalt  }
0x72: {  	_ =	shalt  }
0x73: {  	_ =	shalt  }
0x74: {  	_ =	shalt  }
0x75: {  	_ =	shalt  }
0x76: {  	_ =	shalt  }
0x77: {  	_ =	shalt  }
0x78: {  	_ =	shalt  }
0x79: {  	_ =	shalt  }
0x7a: {  	_ =	shalt  }
0x7b: {  	_ =	shalt  }
0x7c: {  	_ =	shalt  }
0x7d: {  	_ =	shalt  }
0x7e: {  	_ =	shalt  }
0x7f: {  	_ =	shalt  }
0x80: {  	_ =	shalt  }
0x81: {  	_ =	shalt  }
0x82: {  	_ =	shalt  }
0x83: {  	_ =	shalt  }
0x84: {  	_ =	shalt  }
0x85: {  	_ =	shalt  }
0x86: {  	_ =	shalt  }
0x87: {  	_ =	shalt  }
.Lfunc_end0:
.L_simem_size_0:
called_computation.2_lowered:
.L_overlay_start_0:
0x88: {  	s2 =	sld [smem:$0x3FD9]  }
0x89: {  	s3 =	sld [smem:$0x3FFE];
	_ =	sdelay $0x1  }
0x8a: {  	s1 =	srdreg.scid  }
0x8b: {  	s0 =	sand.u32 $0x1, s1  }
0x8c: {  	s16 =	sshll.u32 s0, $0xA;
	s2 =	sadd.s32 s3, s2  }
0x8d: {  	s2 =	sadd.s32 s2, s16  }
0x8e: {  	[smem:$0x3FBF] =	sst s2  }
0x8f: {  	_ = 	snop  }
0x90: {  	(tm) =	ssettm $0x1  }
0x91: {  	s17 =	sld [smem:$0x3FFB];
	_ =	sdelay $0x3  }
0x92: {  	_ =	strace s17  }
0x93: {  	s2 =	sld [smem:$0x3FFC];
	_ =	sdelay $0x3  }
0x94: {  	_ =	strace s2  }
0x95: {  	s2 =	sld [smem:$0x3FFD];
	_ =	sdelay $0x3  }
0x96: {  	_ =	strace s2  }
0x97: {  	_ =	strace $0x8FFFFFFF  }
0x98: {  	s18 =	sld [smem:$0x3FDB];
	_ =	sdelay $0x1  }
0x99: {  	s19 =	simm.s32 $_scs_section_size  }
0x9a: {  	s4 =	simm.s32 $_size__tile_overlayer_lowered;
	s5 =	simm.s32 $_tile_overlayer_lowered  }
0x9b: {  	s22 =	simm.s32 $0x1BFF;
	s21 =	sshll.u32 s5, $0x1;
	s2 =	sadd.s32 s19, s18  }
0x9c: {  	s6 =	simm.s32 $0x0;
	s20 =	sshll.u32 s4, $0x1;
	s4 =	sadd.s32 s21, s2  }
0x9d: {  	[timem:s6], [sflag:s22] =	dma.local [hbm:s4], s20  }
0x9e: {  	_ =	swait.ge [sflag:s22], s20  }
0x9f: {  	s3 =	ssub.s32 $0x0, s20;
	[sflag:s22] =	ssyncset.done $0x0  }
0xa0: {  	[sflag:s22] =	ssyncadd.s32 s3;
	_ =	sdelay $0x1  }
0xa1: {  	s23 =	simm.s32 $0x1B8B  }
0xa2: {  	_ =	swait.ge [sflag:s23], $0x1  }
0xa3: {  	[sflag:s23] =	ssyncset.done $0x0  }
0xa4: {  	s25 =	simm.s32 $0x1B8E;
	s24 =	sld [smem:$0x3FFE];
	[sflag:s23] =	ssyncadd.s32 $0xFFFFFFFF  }
0xa5: {  	s26 =	simm.s32 $execute0_lowered;
	[smem:$0x3FD2] =	sst s25  }
0xa6: {  	s4 =	sshll.u32 s26, $0x1;
	_ =	strace $0x8000004C;
	[dreg:$0x1] =	wrdreg $0xFFFFFFFF  }
0xa7: {  	s28 =	simm.s32 $_size_execute0_lowered;
	s2 =	sadd.s32 s2, s4;
	[dreg:$0x0] =	wrdreg $0x0  }
0xa8: {  	s4 =	sshll.u32 s28, $0x1;
	[dreg:$0x2] =	wrdreg s2  }
0xa9: {  	[dreg:$0x3] =	wrdreg s4  }
0xaa: {  	[dreg:$0x4] =	wrdreg $0xC0  }
0xab: {  	_ =	task [dreg:s6], $0x5FFFF  }
0xac: {  	[dreg:$0x1] =	wrdreg $0xFFFFFFFF  }
0xad: {  	[dreg:$0x0] =	wrdreg $0x60  }
0xae: {  	[dreg:$0x2] =	wrdreg s24  }
0xaf: {  	[dreg:$0x3] =	wrdreg $0x9  }
0xb0: {  	_ =	task.clear_ibuf [dreg:s6], $0x4FFFF;
	_ =	strace $0x9000004C  }
0xb1: {  	s29 =	simm.s32 $0x9;
	_ =	strace $0x8000004E  }
0xb2: {  	_ =	swait.ge [sflag:s29], $0x1  }
0xb3: {  	[sflag:s29] =	ssyncadd.s32 $0xFFFFFFFF  }
0xb4: {  	_ =	strace $0x9000004E  }
0xb5: {  	_ =	sfence  }
0xb6: {  	s30 =	sld [smem:$0x0];
	_ =	sdelay $0x2  }
0xb7: {  	s31 =	sshll.u32 s1, $0xD;
	s1 =	sshrl.u32 s1, $0x2  }
0xb8: {  	s3 =	sand.u32 $0x4000, s31;
	s1 =	sadd.s32 s1, s30  }
0xb9: {  	s0 =	sor.u32 s3, s0;
	s1 =	sshll.u32 s1, $0x11  }
0xba: {  	s0 =	sor.u32 s1, s0  }
0xbb: {  	s0 =	sadd.s32 $0x8F2B, s0  }
0xbc: {  	[sflag:s0] =	ssyncadd.remote.s32 $0x1  }
0xbd: {  	_ =	sfence.sel $0xFFFF  }
0xbe: {  	[dreg:$0x0] =	wrdreg $0xFFFFFFFF;
	(pc) =	sbr.abs _section_cstart, $3  }
0xbf: {  	[dreg:$0x1] =	wrdreg $0xFFFFFFFF  }
0xc0: {  	_ =	task.clear_ibuf [dreg:s6], $0x2FFFF;
	_ =	strace $0x9FFFFFFF  }
0xc1: {  	(tm) =	ssettm $0x7FFFFFFF  }
tec
execute0_lowered:
.L_overlay_start_1:
0x0: {  	(tag) =	ssettag $0x1  }
0x1: {  	s0 =	srdreg.scid  }
0x2: {  	s5 =	rddreg [dreg:$0x0];
	s1 =	stileid.u32  }
0x3: {  	s2 =	simm.s32 $0x0;
	s9 =	simm.s32 $0x3;
	s10 =	simm.s32 $0x2800  }
0x4: {  	s11 =	simm.s32 $0x80;
	s12 =	simm.s32 $0x5000;
	s13 =	simm.s32 $0x9000  }
0x5: {  	s14 =	simm.s32 $0x1;
	s15 =	simm.s32 $0x2;
	s4 =	sand.u32 $0x1, s0  }
0x6: {  	s16 =	simm.s32 $0x0;
	s8 =	smul.u32 $0x27800, s1;
	s3 =	sshll.u32 s4, $0x4  }
0x7: {  	s0 =	rddreg [dreg:$0x1];
	s7 =	smul.u32 $0x278000, s4;
	s3 =	sor.u32 s1, s3  }
0x8: {  	[smem:$0x7FF] =	sst s2;
	s4 =	ssub.s32 $0x2, s4;
	s6 =	smul.u32 $0x500, s3  }
0x9: {  	_ =	strace $0x8000004D;
	s31 =	sshrl.u32 s4, $0x1;
	s3 =	sadd.s32 $0x16200, s5  }
0xa: {  	s6 =	sadd.s32 s6, s5;
	s5 =	sadd.s32 s7, s5;
	s7 =	ssub.s32 s4, s31  }
0xb: {  	s4 =	sadd.s32 $0xC200, s6;
	s8 =	sadd.s32 s8, s5;
	s5 =	sadd.s32 $0x2200, s6  }
0xc: {  	s6 =	smax.u32 s7, $0x1;
	s7 =	sadd.s32 $0x3E200, s8;
	s8 =	sadd.s32 $0x52E200, s8  }
.LBB2_1:
0xd: {  	[tilespmem:s2], [sflag:$0x3] =	stream.linear.gather [hbm4b:s4+s2], $0x2780, $0x38;
	[tilespmem:$0xD000] =	vst v63  }
0xe: {  	_ =	swait.ge [sflag:s9], $0x2780  }
0xf: {  	[sflag:s9] =	ssyncset.done $0x0  }
0x10: {  	[sflag:s9] =	ssyncadd.s32 $0xFFFFD880  }
0x11: {  	[tilespmem:s10], [sflag:$0x3] =	stream.linear.gather [hbm4b:s5+s2], $0x2780, $0x38;
	[tilespmem:$0xD000] =	vst v63  }
0x12: {  	_ =	swait.ge [sflag:s9], $0x2780  }
0x13: {  	[sflag:s9] =	ssyncset.done $0x0  }
0x14: {  	s17 =	simm.s32 $0x0;
	[sflag:s9] =	ssyncadd.s32 $0xFFFFD880  }
0x15: {  	[tilespmem:s12], [sflag:$0x1] =	stream.indirect.gather [hbm4b:s3+s11], $0x80, s17, s11, $0xb8;
	[tilespmem:$0xD000] =	vst v63  }
0x16: {  	s31 =	simm.s32 $0x2800  }
0x17: {  	[tilespmem:s13], [sflag:$0x2] =	stream.indirect.gather [hbm4b:s3+s11], $0x80, s31, s11, $0xb8;
	[tilespmem:$0xD000] =	vst v63  }
0x18: {  	_ =	swait.ge [sflag:s14], $0x4000  }
0x19: {  	[sflag:s14] =	ssyncset.done $0x0  }
0x1a: {  	[sflag:s14] =	ssyncadd.s32 $0xFFFFC000  }
0x1b: {  	[hbm4b:s7+s2] =	stream.linear.scatter [tilespmem:s12], [sflag:$0x3], $0x4000, $0x38;
	[tilespmem:$0xD000] =	vst v63  }
0x1c: {  	_ =	swait.ge [sflag:s9], $0x4000  }
0x1d: {  	[sflag:s9] =	ssyncset.done $0x0  }
0x1e: {  	[sflag:s9] =	ssyncadd.s32 $0xFFFFC000  }
0x1f: {  	_ =	swait.ge [sflag:s15], $0x4000  }
0x20: {  	[sflag:s15] =	ssyncset.done $0x0  }
0x21: {  	[sflag:s15] =	ssyncadd.s32 $0xFFFFC000  }
0x22: {  	[hbm4b:s8+s2] =	stream.linear.scatter [tilespmem:s13], [sflag:$0x3], $0x4000, $0x38;
	[tilespmem:$0xD000] =	vst v63  }
0x23: {  	s19 =	simm.s32 $0x200;
	s20 =	simm.s32 $0x400;
	_ =	swait.ge [sflag:s9], $0x4000  }
0x24: {  	s18 =	sadd.s32 $0x800, s7;
	s17 =	sadd.s32 $0x800, s8;
	[sflag:s9] =	ssyncset.done $0x0  }
.LBB2_2:
0x25: {  	s21 =	sshra.s32 s19, $0x2  }
0x26: {  	[sflag:s9] =	ssyncadd.s32 $0xFFFFC000;
	s19 =	smov.u32 s20;
	s22 =	sadd.s32 $0x200, s20  }
0x27: {  	[tilespmem:s12], [sflag:$0x1] =	stream.indirect.gather [hbm4b:s3+s11], $0x80, s21, s11, $0xb8;
	[tilespmem:$0xD000] =	vst v63  }
0x28: {  	p0 =	sne.s32 s20, $0x9C00;
	s20 =	sadd.s32 $0x2800, s21  }
0x29: {  	[tilespmem:s13], [sflag:$0x2] =	stream.indirect.gather [hbm4b:s3+s11], $0x80, s20, s11, $0xb8;
	[tilespmem:$0xD000] =	vst v63  }
0x2a: {  	_ =	swait.ge [sflag:s14], $0x4000  }
0x2b: {  	[sflag:s14] =	ssyncset.done $0x0  }
0x2c: {  	[sflag:s14] =	ssyncadd.s32 $0xFFFFC000  }
0x2d: {  	[hbm4b:s18+s2] =	stream.linear.scatter [tilespmem:s12], [sflag:$0x3], $0x4000, $0x38;
	[tilespmem:$0xD000] =	vst v63  }
0x2e: {  	_ =	swait.ge [sflag:s9], $0x4000  }
0x2f: {  	[sflag:s9] =	ssyncset.done $0x0  }
0x30: {  	[sflag:s9] =	ssyncadd.s32 $0xFFFFC000  }
0x31: {  	_ =	swait.ge [sflag:s15], $0x4000  }
.Ltmp0:
0x32: {  	[sflag:s15] =	ssyncset.done $0x0;
	(pc) =	sbr.rel @p0 .LBB2_2-.Ltmp0, $4  }
0x33: {  	[sflag:s15] =	ssyncadd.s32 $0xFFFFC000  }
0x34: {  	[hbm4b:s17+s2] =	stream.linear.scatter [tilespmem:s13], [sflag:$0x3], $0x4000, $0x38;
	[tilespmem:$0xD000] =	vst v63  }
0x35: {  	s20 =	smov.u32 s22;
	_ =	swait.ge [sflag:s9], $0x4000  }
0x36: {  	s18 =	sadd.s32 $0x800, s18;
	s17 =	sadd.s32 $0x800, s17;
	[sflag:s9] =	ssyncset.done $0x0  }
0x37: {  	s19 =	sshra.s32 s19, $0x2;
	[sflag:s9] =	ssyncadd.s32 $0xFFFFC000  }
0x38: {  	[tilespmem:s12], [sflag:$0x1] =	stream.indirect.gather [hbm4b:s3+s11], $0x80, s19, s11, $0xb8;
	[tilespmem:$0xD000] =	vst v63  }
0x39: {  	s19 =	sadd.s32 $0x2800, s19  }
0x3a: {  	[tilespmem:s13], [sflag:$0x2] =	stream.indirect.gather [hbm4b:s3+s11], $0x80, s19, s11, $0xb8;
	[tilespmem:$0xD000] =	vst v63  }
0x3b: {  	_ =	swait.ge [sflag:s14], $0x4000  }
0x3c: {  	[sflag:s14] =	ssyncset.done $0x0  }
0x3d: {  	[sflag:s14] =	ssyncadd.s32 $0xFFFFC000  }
0x3e: {  	[hbm4b:s18+s2] =	stream.linear.scatter [tilespmem:s12], [sflag:$0x3], $0x4000, $0x38;
	[tilespmem:$0xD000] =	vst v63  }
0x3f: {  	_ =	swait.ge [sflag:s9], $0x4000  }
0x40: {  	[sflag:s9] =	ssyncset.done $0x0  }
0x41: {  	[sflag:s9] =	ssyncadd.s32 $0xFFFFC000  }
0x42: {  	s16 =	sadd.s32 $0x1, s16;
	_ =	swait.ge [sflag:s15], $0x4000  }
0x43: {  	p0 =	sne.s32 s16, s6;
	[sflag:s15] =	ssyncset.done $0x0  }
.Ltmp1:
0x44: {  	[sflag:s15] =	ssyncadd.s32 $0xFFFFC000;
	(pc) =	sbr.rel @p0 .LBB2_1-.Ltmp1, $4  }
0x45: {  	[hbm4b:s17+s2] =	stream.linear.scatter [tilespmem:s13], [sflag:$0x3], $0x4000, $0x38;
	[tilespmem:$0xD000] =	vst v63  }
0x46: {  	_ =	swait.ge [sflag:s9], $0x4000  }
0x47: {  	[sflag:s9] =	ssyncset.done $0x0  }
0x48: {  	[sflag:s9] =	ssyncadd.s32 $0xFFFFC000  }
0x49: {  	_ =	sfence.sel $0x180000  }
0x4a: {  	[bflag:$0x0] =	sbarrier.arrive $0xFFFF  }
0x4b: {  	p0 =	sne.s32 s1, $0x0;
	_ =	strace $0x9000004D  }
0x4c: {  	s0 =	sadd.s32 @!p0 $0x100000, s0;
	[bflag:$0x2] =	sbarrier.arrive $0xFFFF  }
0x4d: {  	[sflag:s0] =	ssyncadd.tile.s32 @!p0 $0x1;
	_ =	shalt  }
.Lfunc_end2:
_tile_overlayer_lowered:
.L_overlay_start_2:
0x4e: {  	(tag) =	ssettag $0x2  }
0x4f: {  	s0 =	rddreg [dreg:$0x0];
	s2 =	stileid.u32  }
0x50: {  	s1 =	rddreg [dreg:$0x1];
	p0 =	sne.s32 s2, $0x0  }
0x51: {  	s3 =	rddreg [dreg:$0x2];
	[bflag:$0x3] =	sbarrier.arrive $0xFFFF;
	s2 =	simm.s32 @!p0 $0x1C03  }
0x52: {  	[timem:s3], [sflag:s2] =	dma.local @!p0 [hbm:s0], s1  }
0x53: {  	s0 =	simm.s32 @!p0 $0x3  }
0x54: {  	_ =	swait.ge @!p0 [sflag:s0], s1  }
0x55: {  	s1 =	ssub.s32 @!p0 $0x0, s1;
	[sflag:s0] =	ssyncset.done @!p0 $0x0  }
0x56: {  	[sflag:s0] =	ssyncadd.s32 @!p0 s1  }
0x57: {  	[bflag:$0x3] =	sbarrier.arrive $0xFFFF  }
0x58: {  	_ =	shalt  }

// kernel: kernel.7.cloned.1.call-start
scs
__scs_entry_jumppad:
0x0: {  	(pc) =	sbr.rel $0x88, $3  }
0x1: {  	(tag) =	ssettag $0x0;
	lr =	simm.s32 $0x1  }
0x2: {  	[smem:$0x3F98] =	sst lr;
	_ =	strace $0xD0000000  }
0x3: {  	_ = 	snop  }
0x4: {  	_ = 	snop  }
0x5: {  	_ = 	snop  }
0x6: {  	_ = 	snop  }
0x7: {  	_ = 	snop  }
__scs_overlays_trampoline_lowered:
0x8: {  	[smem:$0x3FA7] =	sst s0  }
0x9: {  	[smem:$0x3FA8] =	sst s1  }
0xa: {  	[smem:$0x3FA9] =	sst s2  }
0xb: {  	[smem:$0x3FAA] =	sst s3  }
0xc: {  	[smem:$0x3FAB] =	sst s4  }
0xd: {  	[smem:$0x3FAC] =	sst s5  }
0xe: {  	[smem:$0x3FAD] =	sst s6  }
0xf: {  	[smem:$0x3FAE] =	sst s7  }
0x10: {  	[smem:$0x3FAF] =	sst s8  }
0x11: {  	[smem:$0x3FB0] =	sst s9;
	s0 =	simm.s32 @!p0 $0x0  }
0x12: {  	s1 =	sld [smem:$0x3F96];
	s0 =	simm.s32 @p0 $0x1  }
0x13: {  	[smem:$0x3FB1] =	sst s0;
	s0 =	simm.s32 @!p1 $0x0  }
0x14: {  	s2 =	sld [smem:$0x3F95];
	s0 =	simm.s32 @p1 $0x1  }
0x15: {  	[smem:$0x3FB2] =	sst s0;
	s0 =	simm.s32 @!p2 $0x0  }
0x16: {  	s3 =	sld [smem:$0x3FDB];
	s0 =	simm.s32 @p2 $0x1  }
0x17: {  	s4 =	simm.s32 $0x1BF5;
	[smem:$0x3FB4] =	sst s0  }
0x18: {  	s0 =	sld [smem:$0x3F97];
	_ =	swait.ge [sflag:s4], $0x0  }
0x19: {  	s7 =	sld [smem:$0x3F98]  }
0x1a: {  	s8 =	sadd.s32 $0xFFFFE003, lr  }
0x1b: {  	s9 =	sadd.s32 $0xFFFFFEF7, lr;
	s5 =	simm.s32 $0xFFFFFFFF;
	p2 =	slt.u32 s8, $0xFFFFF086  }
0x1c: {  	p1 =	slt.u32 s9, $0xF7A;
	s5 =	simm.s32 @!p2 $0x0  }
0x1d: {  	s5 =	simm.s32 @p1 $0x1;
	p0 =	seq.s32 s7, s2  }
0x1e: {  	s7 =	smul.u32 @!p0 $0xF7A, s2;
	p2 =	seq.s32 @!p0 s5, $0x0  }
0x1f: {  	s9 =	smul.u32 $0xF7A, s1;
	s8 =	simm.s32 @!p0 $0x1BF5;
	p2 =	por !p2, p0  }
0x20: {  	[sflag:s8] =	ssyncset.s32 @!p0 $0xFFFFF086;
	s6 =	sadd.s32 @!p0 s3, s7;
	s7 =	simm.s32 @!p0 $0x108  }
0x21: {  	s3 =	sadd.s32 s3, s9;
	s6 =	sadd.s32 @!p0 $0x88, s6;
	s7 =	simm.s32 @p2 $0x1082  }
0x22: {  	[simem:s7], [sflag:s8] =	dma.local @!p0 [hbm:s6], $0xF7A  }
0x23: {  	s9 =	sor.u32 $0xD0000000, s2;
	s6 =	simm.s32 $0x108;
	_ =	swait.ge @!p0 [sflag:s8], $0x0  }
0x24: {  	s3 =	sadd.s32 $0x88, s3;
	s6 =	simm.s32 @!p1 $0x1082;
	[sflag:s4] =	ssyncset.s32 $0xFFFFF086  }
0x25: {  	[simem:s6], [sflag:s4] =	dma.local [hbm:s3], $0xF7A  }
0x26: {  	[smem:$0x3F98] =	sst s1;
	(tag) =	ssettag s2;
	_ =	strace s9  }
0x27: {  	s1 =	sld [smem:$0x3FA8]  }
0x28: {  	s2 =	sld [smem:$0x3FA9]  }
0x29: {  	s4 =	sld [smem:$0x3FAB]  }
0x2a: {  	p0 =	seq.s32 s5, $0x0;
	s5 =	sld [smem:$0x3FAC]  }
0x2b: {  	s6 =	sld [smem:$0x3FAD]  }
0x2c: {  	s7 =	sld [smem:$0x3FAE]  }
0x2d: {  	s3 =	simm.s32 $0x108;
	s8 =	sld [smem:$0x3FAF]  }
0x2e: {  	s3 =	simm.s32 @!p0 $0x1082;
	s9 =	sld [smem:$0x3FB0]  }
0x2f: {  	lr =	sadd.s32 s0, s3;
	s0 =	sld [smem:$0x3FA7]  }
0x30: {  	s3 =	sld [smem:$0x3FAA]  }
0x31: {  	[smem:$0x3FB3] =	sst s10  }
0x32: {  	s10 =	sld [smem:$0x3FB1];
	_ =	sdelay $0x3  }
0x33: {  	p0 =	seq.s32 s10, $0x1;
	s10 =	sld [smem:$0x3FB3];
	_ =	sdelay $0x3  }
0x34: {  	[smem:$0x3FB3] =	sst s10  }
0x35: {  	s10 =	sld [smem:$0x3FB2];
	_ =	sdelay $0x3  }
0x36: {  	p1 =	seq.s32 s10, $0x1;
	s10 =	sld [smem:$0x3FB3];
	_ =	sdelay $0x3  }
0x37: {  	[smem:$0x3FB3] =	sst s10  }
0x38: {  	s10 =	sld [smem:$0x3FB4]  }
0x39: {  	_ = 	snop;
	(pc) =	sbr.ind lr, $3  }
0x3a: {  	_ = 	snop  }
0x3b: {  	_ = 	snop  }
0x3c: {  	p2 =	seq.s32 s10, $0x1;
	s10 =	sld [smem:$0x3FB3]  }
0x3d: {  	_ =	shalt  }
0x3e: {  	_ =	shalt  }
0x3f: {  	_ =	shalt  }
0x40: {  	_ =	shalt  }
0x41: {  	_ =	shalt  }
0x42: {  	_ =	shalt  }
0x43: {  	_ =	shalt  }
0x44: {  	_ =	shalt  }
0x45: {  	_ =	shalt  }
0x46: {  	_ =	shalt  }
0x47: {  	_ =	shalt  }
0x48: {  	_ =	shalt  }
0x49: {  	_ =	shalt  }
0x4a: {  	_ =	shalt  }
0x4b: {  	_ =	shalt  }
0x4c: {  	_ =	shalt  }
0x4d: {  	_ =	shalt  }
0x4e: {  	_ =	shalt  }
0x4f: {  	_ =	shalt  }
0x50: {  	_ =	shalt  }
0x51: {  	_ =	shalt  }
0x52: {  	_ =	shalt  }
0x53: {  	_ =	shalt  }
0x54: {  	_ =	shalt  }
0x55: {  	_ =	shalt  }
0x56: {  	_ =	shalt  }
0x57: {  	_ =	shalt  }
0x58: {  	_ =	shalt  }
0x59: {  	_ =	shalt  }
0x5a: {  	_ =	shalt  }
0x5b: {  	_ =	shalt  }
0x5c: {  	_ =	shalt  }
0x5d: {  	_ =	shalt  }
0x5e: {  	_ =	shalt  }
0x5f: {  	_ =	shalt  }
0x60: {  	_ =	shalt  }
0x61: {  	_ =	shalt  }
0x62: {  	_ =	shalt  }
0x63: {  	_ =	shalt  }
0x64: {  	_ =	shalt  }
0x65: {  	_ =	shalt  }
0x66: {  	_ =	shalt  }
0x67: {  	_ =	shalt  }
0x68: {  	_ =	shalt  }
0x69: {  	_ =	shalt  }
0x6a: {  	_ =	shalt  }
0x6b: {  	_ =	shalt  }
0x6c: {  	_ =	shalt  }
0x6d: {  	_ =	shalt  }
0x6e: {  	_ =	shalt  }
0x6f: {  	_ =	shalt  }
0x70: {  	_ =	shalt  }
0x71: {  	_ =	shalt  }
0x72: {  	_ =	shalt  }
0x73: {  	_ =	shalt  }
0x74: {  	_ =	shalt  }
0x75: {  	_ =	shalt  }
0x76: {  	_ =	shalt  }
0x77: {  	_ =	shalt  }
0x78: {  	_ =	shalt  }
0x79: {  	_ =	shalt  }
0x7a: {  	_ =	shalt  }
0x7b: {  	_ =	shalt  }
0x7c: {  	_ =	shalt  }
0x7d: {  	_ =	shalt  }
0x7e: {  	_ =	shalt  }
0x7f: {  	_ =	shalt  }
0x80: {  	_ =	shalt  }
0x81: {  	_ =	shalt  }
0x82: {  	_ =	shalt  }
0x83: {  	_ =	shalt  }
0x84: {  	_ =	shalt  }
0x85: {  	_ =	shalt  }
0x86: {  	_ =	shalt  }
0x87: {  	_ =	shalt  }
.Lfunc_end0:
.L_simem_size_0:
called_computation_lowered:
.L_overlay_start_0:
0x88: {  	s2 =	sld [smem:$0x3FD9]  }
0x89: {  	s3 =	sld [smem:$0x3FFE];
	_ =	sdelay $0x1  }
0x8a: {  	s1 =	srdreg.scid  }
0x8b: {  	s0 =	sand.u32 $0x1, s1  }
0x8c: {  	s17 =	sshll.u32 s0, $0xA;
	s2 =	sadd.s32 s3, s2  }
0x8d: {  	s2 =	sadd.s32 s2, s17  }
0x8e: {  	[smem:$0x3FBF] =	sst s2  }
0x8f: {  	_ = 	snop  }
0x90: {  	s2 =	sld [smem:$0x3FC9]  }
0x91: {  	s18 =	sld [smem:$0x3FD0];
	(tm) =	ssettm $0x1  }
0x92: {  	s4 =	sld [smem:$0x3FFB];
	_ =	sdelay $0x3  }
0x93: {  	_ =	strace s4  }
0x94: {  	s4 =	sld [smem:$0x3FFC];
	_ =	sdelay $0x3  }
0x95: {  	_ =	strace s4  }
0x96: {  	s4 =	sld [smem:$0x3FFD];
	_ =	sdelay $0x3  }
0x97: {  	_ =	strace s4  }
0x98: {  	_ =	strace $0x8FFFFFFF  }
0x99: {  	s19 =	sld [smem:$0x3FDB];
	_ =	sdelay $0x1  }
0x9a: {  	s5 =	simm.s32 $_scs_section_size  }
0x9b: {  	s6 =	simm.s32 $_size__tile_overlayer_lowered;
	s7 =	simm.s32 $_tile_overlayer_lowered  }
0x9c: {  	s22 =	simm.s32 $0x1BFF;
	s21 =	sshll.u32 s7, $0x1;
	s4 =	sadd.s32 s5, s19  }
0x9d: {  	s8 =	simm.s32 $0x0;
	s20 =	sshll.u32 s6, $0x1;
	s6 =	sadd.s32 s21, s4  }
0x9e: {  	[timem:s8], [sflag:s22] =	dma.local [hbm:s6], s20  }
0x9f: {  	_ =	swait.ge [sflag:s22], s20  }
0xa0: {  	s5 =	ssub.s32 $0x0, s20;
	[sflag:s22] =	ssyncset.done $0x0  }
0xa1: {  	[sflag:s22] =	ssyncadd.s32 s5;
	_ =	sdelay $0x1  }
0xa2: {  	s23 =	simm.s32 $0x1B8B  }
0xa3: {  	_ =	swait.ge [sflag:s23], $0x1  }
0xa4: {  	[sflag:s23] =	ssyncset.done $0x0  }
0xa5: {  	s25 =	simm.s32 $0x1B8E;
	s24 =	sld [smem:$0x3FFE];
	[sflag:s23] =	ssyncadd.s32 $0xFFFFFFFF  }
0xa6: {  	s26 =	simm.s32 $execute0_lowered;
	[smem:$0x3FD2] =	sst s25  }
0xa7: {  	s6 =	sshll.u32 s26, $0x1;
	_ =	strace $0x80000046;
	[dreg:$0x1] =	wrdreg $0xFFFFFFFF  }
0xa8: {  	s28 =	simm.s32 $_size_execute0_lowered;
	s4 =	sadd.s32 s4, s6;
	[dreg:$0x0] =	wrdreg $0x0  }
0xa9: {  	s6 =	sshll.u32 s28, $0x1;
	[dreg:$0x2] =	wrdreg s4  }
0xaa: {  	[dreg:$0x3] =	wrdreg s6  }
0xab: {  	[dreg:$0x4] =	wrdreg $0xC0  }
0xac: {  	_ =	task [dreg:s8], $0x5FFFF  }
0xad: {  	[dreg:$0x1] =	wrdreg $0xFFFFFFFF  }
0xae: {  	[dreg:$0x0] =	wrdreg $0x60  }
0xaf: {  	[dreg:$0x2] =	wrdreg s2  }
0xb0: {  	[dreg:$0x3] =	wrdreg s24  }
0xb1: {  	[dreg:$0x4] =	wrdreg s18  }
0xb2: {  	[dreg:$0x5] =	wrdreg $0x90000  }
0xb3: {  	[dreg:$0x6] =	wrdreg $0x9  }
0xb4: {  	_ =	task.clear_ibuf [dreg:s8], $0x7FFFF;
	_ =	strace $0x90000046  }
0xb5: {  	s29 =	simm.s32 $0x9;
	_ =	strace $0x80000048  }
0xb6: {  	_ =	swait.ge [sflag:s29], $0x1  }
0xb7: {  	[sflag:s29] =	ssyncadd.s32 $0xFFFFFFFF  }
0xb8: {  	_ =	strace $0x90000048  }
0xb9: {  	_ =	sfence  }
0xba: {  	s30 =	sld [smem:$0x0];
	_ =	sdelay $0x2  }
0xbb: {  	s31 =	sshll.u32 s1, $0xD;
	s1 =	sshrl.u32 s1, $0x2  }
0xbc: {  	s3 =	sand.u32 $0x4000, s31;
	s1 =	sadd.s32 s1, s30  }
0xbd: {  	s0 =	sor.u32 s3, s0;
	s1 =	sshll.u32 s1, $0x11  }
0xbe: {  	s0 =	sor.u32 s1, s0  }
0xbf: {  	s0 =	sadd.s32 $0x8F2B, s0  }
0xc0: {  	[sflag:s0] =	ssyncadd.remote.s32 $0x1  }
0xc1: {  	_ =	sfence.sel $0xFFFF  }
0xc2: {  	[dreg:$0x0] =	wrdreg $0xFFFFFFFF;
	(pc) =	sbr.abs _section_cstart, $3  }
0xc3: {  	[dreg:$0x1] =	wrdreg $0xFFFFFFFF  }
0xc4: {  	_ =	task.clear_ibuf [dreg:s8], $0x2FFFF;
	_ =	strace $0x9FFFFFFF  }
0xc5: {  	(tm) =	ssettm $0x7FFFFFFF  }
tec
execute0_lowered:
.L_overlay_start_1:
0x0: {  	(tag) =	ssettag $0x1  }
0x1: {  	s1 =	rddreg [dreg:$0x0]  }
0x2: {  	s6 =	rddreg [dreg:$0x1]  }
0x3: {  	s2 =	rddreg [dreg:$0x2]  }
0x4: {  	s3 =	rddreg [dreg:$0x3]  }
0x5: {  	s4 =	srdreg.scid;
	s0 =	rddreg [dreg:$0x4]  }
0x6: {  	s5 =	simm.s32 $0x0;
	s14 =	simm.s32 $0x80;
	s15 =	simm.s32 $0x5000  }
0x7: {  	s16 =	simm.s32 $0x1;
	s7 =	sand.u32 $0x1, s4;
	s4 =	stileid.u32  }
0x8: {  	s17 =	simm.s32 $0x0;
	[smem:$0x7FF] =	sst s5;
	s8 =	smul.u32 $0x140000, s7  }
0x9: {  	s9 =	sshll.u32 s7, $0x4;
	s10 =	smul.u32 $0x14000, s4;
	_ =	strace $0x80000047  }
0xa: {  	s7 =	ssub.s32 $0x2, s7;
	s11 =	smul.u32 $0x50000, s4;
	s12 =	sshll.u32 s4, $0x6  }
0xb: {  	s9 =	sor.u32 s4, s9;
	s30 =	sshrl.u32 s7, $0x1;
	s12 =	sor.u32 $0x1C02, s12  }
0xc: {  	s9 =	smul.u32 $0x500, s9;
	s8 =	sadd.s32 s10, s8;
	s10 =	ssub.s32 s7, s30  }
0xd: {  	s31 =	sshrl.u32 s11, $0x2;
	s11 =	simm.s32 $0x2800;
	s8 =	sshrl.u32 s8, $0x3  }
0xe: {  	s13 =	sadd.s32 s31, s3;
	s9 =	sadd.s32 s9, s6;
	s8 =	sadd.s32 s8, s6  }
0xf: {  	s13 =	sshrl.u32 s13, $0x3;
	s6 =	sadd.s32 $0xC200, s9;
	s7 =	sadd.s32 $0x2200, s9  }
0x10: {  	s8 =	sadd.s32 $0x16200, s8;
	s9 =	smax.u32 s10, $0x1;
	s10 =	simm.s32 $0x2  }
.LBB2_1:
0x11: {  	[tilespmem:s5], [sflag:$0x2] =	stream.linear.gather [hbm4b:s6+s5], $0x2780, $0x38;
	[tilespmem:$0x1D000] =	vst v63  }
0x12: {  	_ =	swait.ge [sflag:s10], $0x2780  }
0x13: {  	[sflag:s10] =	ssyncset.done $0x0  }
0x14: {  	[sflag:s10] =	ssyncadd.s32 $0xFFFFD880  }
0x15: {  	[tilespmem:s11], [sflag:$0x2] =	stream.linear.gather [hbm4b:s7+s5], $0x2780, $0x38;
	[tilespmem:$0x1D000] =	vst v63  }
0x16: {  	_ =	swait.ge [sflag:s10], $0x2780  }
0x17: {  	[sflag:s10] =	ssyncset.done $0x0  }
0x18: {  	[sflag:s10] =	ssyncadd.s32 $0xFFFFD880  }
0x19: {  	[spmem:s13], [sflag:s12] =	dma.local [hbm:s2], $0x2800  }
0x1a: {  	_ =	swait.ge [sflag:s10], $0x2800  }
0x1b: {  	[sflag:s10] =	ssyncset.done $0x0  }
0x1c: {  	[sflag:s10] =	ssyncadd.s32 $0xFFFFD800  }
0x1d: {  	s18 =	simm.s32 $0x0;
	[bflag:$0x0] =	sbarrier.arrive $0xFFFF  }
0x1e: {  	[tilespmem:s15], [sflag:$0x1] =	stream.indirect.gather [hbm4b:s1+s14], $0x80, s18, s14, $0xb8;
	[tilespmem:$0x1D000] =	vst v63  }
0x1f: {  	_ =	swait.ge [sflag:s16], $0x4000  }
0x20: {  	[sflag:s16] =	ssyncset.done $0x0  }
0x21: {  	s31 =	simm.s32 $0x2800;
	[sflag:s16] =	ssyncadd.s32 $0xFFFFC000  }
0x22: {  	[spmem:s3] =	stream.indirect.scatter.add.f32 [tilespmem:s15], [sflag:$0x2], $0x80, s31, s14, $0xb8;
	[tilespmem:$0x1D000] =	vst v63  }
0x23: {  	_ =	swait.ge [sflag:s10], $0x4000  }
0x24: {  	s19 =	simm.s32 $0x400;
	s18 =	simm.s32 $0x200;
	[sflag:s10] =	ssyncset.done $0x0  }
.LBB2_2:
0x25: {  	s20 =	sshra.s32 s18, $0x2  }
0x26: {  	[sflag:s10] =	ssyncadd.s32 $0xFFFFC000;
	s18 =	smov.u32 s19;
	s21 =	sadd.s32 $0x200, s19  }
0x27: {  	[tilespmem:s15], [sflag:$0x1] =	stream.indirect.gather [hbm4b:s1+s14], $0x80, s20, s14, $0xb8;
	[tilespmem:$0x1D000] =	vst v63  }
0x28: {  	p0 =	sne.s32 s19, $0x9C00;
	_ =	swait.ge [sflag:s16], $0x4000  }
.Ltmp0:
0x29: {  	[sflag:s16] =	ssyncset.done $0x0;
	(pc) =	sbr.rel @p0 .LBB2_2-.Ltmp0, $4  }
0x2a: {  	s19 =	sadd.s32 $0x2800, s20;
	[sflag:s16] =	ssyncadd.s32 $0xFFFFC000  }
0x2b: {  	[spmem:s3] =	stream.indirect.scatter.add.f32 [tilespmem:s15], [sflag:$0x2], $0x80, s19, s14, $0xb8;
	[tilespmem:$0x1D000] =	vst v63  }
0x2c: {  	_ =	swait.ge [sflag:s10], $0x4000  }
0x2d: {  	s19 =	smov.u32 s21;
	[sflag:s10] =	ssyncset.done $0x0  }
0x2e: {  	s18 =	sshra.s32 s18, $0x2;
	[sflag:s10] =	ssyncadd.s32 $0xFFFFC000  }
0x2f: {  	[tilespmem:s15], [sflag:$0x1] =	stream.indirect.gather [hbm4b:s1+s14], $0x80, s18, s14, $0xb8;
	[tilespmem:$0x1D000] =	vst v63  }
0x30: {  	_ =	swait.ge [sflag:s16], $0x4000  }
0x31: {  	[sflag:s16] =	ssyncset.done $0x0  }
0x32: {  	s18 =	sadd.s32 $0x2800, s18;
	[sflag:s16] =	ssyncadd.s32 $0xFFFFC000  }
0x33: {  	[spmem:s3] =	stream.indirect.scatter.add.f32 [tilespmem:s15], [sflag:$0x2], $0x80, s18, s14, $0xb8;
	[tilespmem:$0x1D000] =	vst v63  }
0x34: {  	_ =	swait.ge [sflag:s10], $0x4000  }
0x35: {  	s17 =	sadd.s32 $0x1, s17;
	[sflag:s10] =	ssyncset.done $0x0  }
0x36: {  	p0 =	sne.s32 s17, s9;
	[sflag:s10] =	ssyncadd.s32 $0xFFFFC000  }
.Ltmp1:
0x37: {  	[bflag:$0x0] =	sbarrier.arrive $0xFFFF;
	(pc) =	sbr.rel @p0 .LBB2_1-.Ltmp1, $4  }
0x38: {  	[hbm:s8], [sflag:s12] =	dma.local [spmem:s13], $0x2800  }
0x39: {  	_ =	swait.ge [sflag:s10], $0x2800  }
0x3a: {  	[sflag:s10] =	ssyncset.done $0x0  }
0x3b: {  	[sflag:s10] =	ssyncadd.s32 $0xFFFFD800  }
0x3c: {  	_ =	sfence.sel $0x180000  }
0x3d: {  	[bflag:$0x0] =	sbarrier.arrive $0xFFFF  }
0x3e: {  	p0 =	sne.s32 s4, $0x0;
	_ =	strace $0x90000047  }
0x3f: {  	s0 =	sadd.s32 @!p0 $0x100000, s0;
	[bflag:$0x2] =	sbarrier.arrive $0xFFFF  }
0x40: {  	[sflag:s0] =	ssyncadd.tile.s32 @!p0 $0x1;
	_ =	shalt  }
.Lfunc_end2:
_tile_overlayer_lowered:
.L_overlay_start_2:
0x41: {  	(tag) =	ssettag $0x2  }
0x42: {  	s0 =	rddreg [dreg:$0x0];
	s2 =	stileid.u32  }
0x43: {  	s1 =	rddreg [dreg:$0x1];
	p0 =	sne.s32 s2, $0x0  }
0x44: {  	s3 =	rddreg [dreg:$0x2];
	[bflag:$0x3] =	sbarrier.arrive $0xFFFF;
	s2 =	simm.s32 @!p0 $0x1C02  }
0x45: {  	[timem:s3], [sflag:s2] =	dma.local @!p0 [hbm:s0], s1  }
0x46: {  	s0 =	simm.s32 @!p0 $0x2  }
0x47: {  	_ =	swait.ge @!p0 [sflag:s0], s1  }
0x48: {  	s1 =	ssub.s32 @!p0 $0x0, s1;
	[sflag:s0] =	ssyncset.done @!p0 $0x0  }
0x49: {  	[sflag:s0] =	ssyncadd.s32 @!p0 s1  }
0x4a: {  	[bflag:$0x3] =	sbarrier.arrive $0xFFFF  }
0x4b: {  	_ =	shalt  }

</sc_bundles>
